<compile_context>
chip_gen: v7x
topology: tpu7x:2x2x1
jax: 0.10.2.dev20260603
libtpu: 0.0.44.dev20260713+nightly
codegen_flags: <defaults>
</compile_context>

<pallas_src>
import functools

import jax
import jax.numpy as jnp
from jax import lax
from jax.experimental import pallas as pl
from jax.experimental.pallas import tpu as pltpu
from jax.experimental.pallas import tpu_sc as plsc

NC = 2
NS = 16
TILES = NC * NS
K = 128
IB = 32
AUX = 8


def _sc_partials(x, ei, aux, zrows, *, n_pad, d, bpt_main):
    stripe = n_pad // NS
    sizes = []
    off = 0
    while off < bpt_main:
        sizes.append(min(IB, bpt_main - off))
        off += sizes[-1]
    sizes.append(AUX)
    nblk = len(sizes)

    @functools.partial(
        pl.kernel,
        out_type=jax.ShapeDtypeStruct((NC, n_pad, d), jnp.float32),
        mesh=plsc.VectorSubcoreMesh(core_axis_name="c", subcore_axis_name="s"),
        scratch_types=[
            pltpu.VMEM((IB, K), jnp.int32),
            pltpu.VMEM((IB, K), jnp.int32),
            pltpu.VMEM((IB, K), jnp.int32),
            pltpu.VMEM((IB, K), jnp.int32),
            pltpu.VMEM((K, d), jnp.float32),
            pltpu.VMEM((K, d), jnp.float32),
            pltpu.VMEM_SHARED((n_pad, d), jnp.float32),
            pltpu.SemaphoreType.DMA,
            pltpu.SemaphoreType.DMA,
            pltpu.SemaphoreType.DMA,
            pltpu.SemaphoreType.DMA,
        ],
    )
    def sc_kernel(x_hbm, ei_hbm, aux_hbm, zrows_hbm, out_hbm,
                  sidxA, didxA, sidxB, didxB, rows0, rows1, acc,
                  gs0, gs1, isemA, isemB):
        c = lax.axis_index("c")
        s = lax.axis_index("s")
        t = c * NS + s

        idxbufs = [(sidxA, didxA, isemA), (sidxB, didxB, isemB)]
        blocks = [(ei_hbm.at[0], ei_hbm.at[1], t * bpt_main + boff, sz)
                  for boff, sz in zip([sum(sizes[:i]) for i in range(nblk - 1)],
                                      sizes[:-1])]
        blocks.append((aux_hbm.at[0], aux_hbm.at[1], t * AUX, AUX))

        def start_idx(b, bufs):
            sidx, didx, isem = bufs
            sref, dref, base, sz = blocks[b]
            pltpu.async_copy(sref.at[pl.ds(base, sz)],
                             sidx.at[pl.ds(0, sz)], isem)
            pltpu.async_copy(dref.at[pl.ds(base, sz)],
                             didx.at[pl.ds(0, sz)], isem)

        def wait_idx(b, bufs):
            sidx, didx, isem = bufs
            sref, dref, base, sz = blocks[b]
            pltpu.make_async_copy(sref.at[pl.ds(base, sz)],
                                  sidx.at[pl.ds(0, sz)], isem).wait()
            pltpu.make_async_copy(dref.at[pl.ds(base, sz)],
                                  didx.at[pl.ds(0, sz)], isem).wait()

        def start_g(sidx, j, rows, sem):
            pltpu.async_copy(x_hbm.at[sidx.at[j]], rows, sem)

        def wait_g(sidx, j, rows, sem):
            pltpu.make_async_copy(x_hbm.at[sidx.at[j]], rows, sem).wait()

        def scat(didx, j, rows):
            pltpu.sync_copy(rows, acc.at[didx.at[j]], add=True)

        start_idx(0, idxbufs[0])
        wait_idx(0, idxbufs[0])
        start_idx(1, idxbufs[1])
        start_g(sidxA, 0, rows0, gs0)
        start_g(sidxA, 1, rows1, gs1)

        pltpu.sync_copy(zrows_hbm, acc.at[pl.ds(s * stripe, stripe)])
        plsc.subcore_barrier()

        for b in range(nblk):
            sidx, didx, _ = idxbufs[b % 2]
            nxt = idxbufs[(b + 1) % 2]
            sz = blocks[b][3]

            @pl.loop(0, sz, step=2)
            def _(j, sidx=sidx, didx=didx, sz=sz):
                wait_g(sidx, j, rows0, gs0)
                scat(didx, j, rows0)

                @pl.when(j + 2 < sz)
                def _():
                    start_g(sidx, j + 2, rows0, gs0)

                wait_g(sidx, j + 1, rows1, gs1)
                scat(didx, j + 1, rows1)

                @pl.when(j + 3 < sz)
                def _():
                    start_g(sidx, j + 3, rows1, gs1)

            if b + 1 < nblk:
                wait_idx(b + 1, nxt)
                start_g(nxt[0], 0, rows0, gs0)
                start_g(nxt[0], 1, rows1, gs1)
            if b + 2 < nblk:
                start_idx(b + 2, idxbufs[b % 2])

        plsc.subcore_barrier()

        pltpu.sync_copy(acc.at[pl.ds(s * stripe, stripe)],
                        out_hbm.at[c].at[pl.ds(s * stripe, stripe)])

    return sc_kernel(x, ei, aux, zrows)


def _tc_add_body(p_ref, o_ref):
    n = o_ref.shape[0]
    o_ref[...] = p_ref[0, :n, :] + p_ref[1, :n, :]


def kernel(x, edge_index):
    n, d = x.shape
    e = edge_index.shape[1]
    n_pad = ((n + NS * 8 - 1) // (NS * 8)) * (NS * 8)

    nchunks = e // K
    bpt_main = (nchunks // TILES) // 8 * 8
    rem = nchunks - bpt_main * TILES
    naux = TILES * AUX
    pad = (naux - rem) * K

    ei = edge_index.reshape(2, nchunks, K)

    dummy_dst = n + jnp.arange(pad, dtype=jnp.int32) % (n_pad - n)
    dummy_src = jnp.arange(pad, dtype=jnp.int32) % n
    aux = jnp.concatenate(
        [ei[:, bpt_main * TILES:],
         jnp.stack([dummy_src, dummy_dst]).reshape(2, -1, K)], axis=1)
    zrows = jnp.zeros((n_pad // NS, d), jnp.float32)

    partial = _sc_partials(x, ei, aux, zrows, n_pad=n_pad, d=d,
                           bpt_main=bpt_main)

    return pl.pallas_call(
        _tc_add_body,
        out_shape=jax.ShapeDtypeStruct((n, d), jnp.float32),
    )(partial)

# --- scband reference (transcript-rebuilt; emitter-appended) ---
"""Pipeline reference for scband-message-passing-48498770706476 (READ-ONLY COPY).

The authoritative reference and input builder live on the scoring server;
editing this copy changes nothing except your own understanding.
"""

import jax, jax.numpy as jnp
import numpy as np

N = 10000
E = 320000
D = 128

def setup_inputs(seed: int = 0) -> dict:
    key = jax.random.key(seed)
    k1, k2 = jax.random.split(key)
    x = jax.random.normal(k1, (N, D), dtype=jnp.float32)
    edge_index = jax.random.randint(k2, (2, E), 0, N, dtype=jnp.int32)
    return {"x": x, "edge_index": edge_index}


def reference(x, edge_index):
    # MessagePassing with aggr='add', flow='source_to_target':
    # message(x_j) = x[src]; aggregate = scatter-add into dst nodes; update = identity.
    src = edge_index[0]
    dst = edge_index[1]
    msg = jnp.take(x, src, axis=0)            # gather: x_j, shape [E, D]
    out = jax.ops.segment_sum(msg, dst, num_segments=N)  # scatter-add over target nodes
    return out

if __name__ == "__main__":
    import jax
    _d = setup_inputs()
    print(jax.jit(kernel)(*tuple(_d.values())))

</pallas_src>

<mosaic_0001>
#map = affine_map<(d0, d1) -> (0, 0)>
#map1 = affine_map<(d0, d1) -> (0, 0, 0)>
module attributes {stable_mosaic.version = 14 : i64} {
  func.func @sc_kernel(%arg0: i32, %arg1: i32, %arg2: memref<10000x128xf32, #tpu.memory_space<hbm>>, %arg3: memref<2x2500x128xi32, #tpu.memory_space<hbm>>, %arg4: memref<2x256x128xi32, #tpu.memory_space<hbm>>, %arg5: memref<632x128xf32, #tpu.memory_space<hbm>>, %arg6: memref<2x10112x128xf32, #tpu.memory_space<hbm>>, %arg7: memref<32x128xi32, #tpu.memory_space<vmem>>, %arg8: memref<32x128xi32, #tpu.memory_space<vmem>>, %arg9: memref<32x128xi32, #tpu.memory_space<vmem>>, %arg10: memref<32x128xi32, #tpu.memory_space<vmem>>, %arg11: memref<128x128xf32, #tpu.memory_space<vmem>>, %arg12: memref<128x128xf32, #tpu.memory_space<vmem>>, %arg13: memref<10112x128xf32, #tpu.memory_space<vmem_shared>>, %arg14: memref<!tpu.dma_semaphore, #tpu.memory_space<semaphore_mem>>, %arg15: memref<!tpu.dma_semaphore, #tpu.memory_space<semaphore_mem>>, %arg16: memref<!tpu.dma_semaphore, #tpu.memory_space<semaphore_mem>>, %arg17: memref<!tpu.dma_semaphore, #tpu.memory_space<semaphore_mem>>) attributes {dimension_semantics = [#tpu.dimension_semantics<core_parallel>, #tpu.dimension_semantics<subcore_parallel>], iteration_bounds = array<i64: 2, 16>, scalar_prefetch = 0 : i64, scratch_operands = 11 : i64, tpu.core_type = #tpu.core_type<sc_vector_subcore>, window_params = [{transform_indices = #map}, {transform_indices = #map1}, {transform_indices = #map1}, {transform_indices = #map}, {transform_indices = #map1}]} {
    %mul3A = arith.constant 16 : i32
    %mul3A_0 = arith.muli %arg0, %mul3A : i32
    %add3A = arith.addi %mul3A_0, %arg1 : i32
    %mul3A_1 = arith.constant 72 : i32
    %mul3A_2 = arith.muli %add3A, %mul3A_1 : i32
    %add3A_3 = arith.constant 0 : i32
    %add3A_4 = arith.addi %mul3A_2, %add3A_3 : i32
    %mul3A_5 = arith.constant 72 : i32
    %mul3A_6 = arith.muli %add3A, %mul3A_5 : i32
    %add3A_7 = arith.constant 32 : i32
    %add3A_8 = arith.addi %mul3A_6, %add3A_7 : i32
    %mul3A_9 = arith.constant 72 : i32
    %mul3A_10 = arith.muli %add3A, %mul3A_9 : i32
    %add3A_11 = arith.constant 64 : i32
    %add3A_12 = arith.addi %mul3A_10, %add3A_11 : i32
    %mul3A_13 = arith.constant 8 : i32
    %mul3A_14 = arith.muli %add3A, %mul3A_13 : i32
    %dma_start3A = arith.constant 0 : i32
    %dma_start3A_15 = arith.constant 0 : i32
    %dma_start3A_16 = arith.constant 0 : i32
    %dma_start3A_17 = tpu.memref_slice %arg7[%dma_start3A_15, %dma_start3A_16] : memref<32x128xi32, #tpu.memory_space<vmem>> -> memref<32x128xi32, #tpu.memory_space<vmem>>
    %dma_start3A_18 = arith.constant 0 : i32
    %dma_start3A_19 = arith.constant 0 : i32
    %dma_start3A_20 = tpu.memref_slice %arg3[%dma_start3A, %dma_start3A_18, %dma_start3A_19] : memref<2x2500x128xi32, #tpu.memory_space<hbm>> -> memref<1x2500x128xi32, #tpu.memory_space<hbm>>
    %dma_start3A_21 = tpu.memref_squeeze %dma_start3A_20 : memref<1x2500x128xi32, #tpu.memory_space<hbm>> -> memref<2500x128xi32, #tpu.memory_space<hbm>>
    %dma_start3A_22 = arith.constant 0 : i32
    %dma_start3A_23 = tpu.memref_slice %dma_start3A_21[%add3A_4, %dma_start3A_22] : memref<2500x128xi32, #tpu.memory_space<hbm>> -> memref<32x128xi32, #tpu.memory_space<hbm>>
    %dma_start3A_24 = arith.constant 0 : i32
    %dma_start3A_25 = arith.constant 0 : i32
    %dma_start3A_26 = tpu.memref_slice %arg7[%dma_start3A_24, %dma_start3A_25] : memref<32x128xi32, #tpu.memory_space<vmem>> -> memref<32x128xi32, #tpu.memory_space<vmem>>
    %dma_start3A_27 = arith.constant 0 : i32
    %dma_start3A_28 = arith.constant 0 : i32
    %dma_start3A_29 = tpu.memref_slice %arg3[%dma_start3A, %dma_start3A_27, %dma_start3A_28] : memref<2x2500x128xi32, #tpu.memory_space<hbm>> -> memref<1x2500x128xi32, #tpu.memory_space<hbm>>
    %dma_start3A_30 = tpu.memref_squeeze %dma_start3A_29 : memref<1x2500x128xi32, #tpu.memory_space<hbm>> -> memref<2500x128xi32, #tpu.memory_space<hbm>>
    %dma_start3A_31 = arith.constant 0 : i32
    %dma_start3A_32 = tpu.memref_slice %dma_start3A_30[%add3A_4, %dma_start3A_31] : memref<2500x128xi32, #tpu.memory_space<hbm>> -> memref<32x128xi32, #tpu.memory_space<hbm>>
    tpu.enqueue_dma source(%dma_start3A_32 : memref<32x128xi32, #tpu.memory_space<hbm>>) target(%dma_start3A_26 : memref<32x128xi32, #tpu.memory_space<vmem>>) target_semaphore(%arg16 : memref<!tpu.dma_semaphore, #tpu.memory_space<semaphore_mem>>)
    %dma_start3A_33 = arith.constant 1 : i32
    %dma_start3A_34 = arith.constant 0 : i32
    %dma_start3A_35 = arith.constant 0 : i32
    %dma_start3A_36 = tpu.memref_slice %arg8[%dma_start3A_34, %dma_start3A_35] : memref<32x128xi32, #tpu.memory_space<vmem>> -> memref<32x128xi32, #tpu.memory_space<vmem>>
    %dma_start3A_37 = arith.constant 0 : i32
    %dma_start3A_38 = arith.constant 0 : i32
    %dma_start3A_39 = tpu.memref_slice %arg3[%dma_start3A_33, %dma_start3A_37, %dma_start3A_38] : memref<2x2500x128xi32, #tpu.memory_space<hbm>> -> memref<1x2500x128xi32, #tpu.memory_space<hbm>>
    %dma_start3A_40 = tpu.memref_squeeze %dma_start3A_39 : memref<1x2500x128xi32, #tpu.memory_space<hbm>> -> memref<2500x128xi32, #tpu.memory_space<hbm>>
    %dma_start3A_41 = arith.constant 0 : i32
    %dma_start3A_42 = tpu.memref_slice %dma_start3A_40[%add3A_4, %dma_start3A_41] : memref<2500x128xi32, #tpu.memory_space<hbm>> -> memref<32x128xi32, #tpu.memory_space<hbm>>
    %dma_start3A_43 = arith.constant 0 : i32
    %dma_start3A_44 = arith.constant 0 : i32
    %dma_start3A_45 = tpu.memref_slice %arg8[%dma_start3A_43, %dma_start3A_44] : memref<32x128xi32, #tpu.memory_space<vmem>> -> memref<32x128xi32, #tpu.memory_space<vmem>>
    %dma_start3A_46 = arith.constant 0 : i32
    %dma_start3A_47 = arith.constant 0 : i32
    %dma_start3A_48 = tpu.memref_slice %arg3[%dma_start3A_33, %dma_start3A_46, %dma_start3A_47] : memref<2x2500x128xi32, #tpu.memory_space<hbm>> -> memref<1x2500x128xi32, #tpu.memory_space<hbm>>
    %dma_start3A_49 = tpu.memref_squeeze %dma_start3A_48 : memref<1x2500x128xi32, #tpu.memory_space<hbm>> -> memref<2500x128xi32, #tpu.memory_space<hbm>>
    %dma_start3A_50 = arith.constant 0 : i32
    %dma_start3A_51 = tpu.memref_slice %dma_start3A_49[%add3A_4, %dma_start3A_50] : memref<2500x128xi32, #tpu.memory_space<hbm>> -> memref<32x128xi32, #tpu.memory_space<hbm>>
    tpu.enqueue_dma source(%dma_start3A_51 : memref<32x128xi32, #tpu.memory_space<hbm>>) target(%dma_start3A_45 : memref<32x128xi32, #tpu.memory_space<vmem>>) target_semaphore(%arg16 : memref<!tpu.dma_semaphore, #tpu.memory_space<semaphore_mem>>)
    %dma_wait3A = arith.constant 0 : i32
    %dma_wait3A_52 = arith.constant 0 : i32
    %dma_wait3A_53 = arith.constant 0 : i32
    %dma_wait3A_54 = tpu.memref_slice %arg7[%dma_wait3A_52, %dma_wait3A_53] : memref<32x128xi32, #tpu.memory_space<vmem>> -> memref<32x128xi32, #tpu.memory_space<vmem>>
    %dma_wait3A_55 = arith.constant 0 : i32
    %dma_wait3A_56 = arith.constant 0 : i32
    %dma_wait3A_57 = tpu.memref_slice %arg3[%dma_wait3A, %dma_wait3A_55, %dma_wait3A_56] : memref<2x2500x128xi32, #tpu.memory_space<hbm>> -> memref<1x2500x128xi32, #tpu.memory_space<hbm>>
    %dma_wait3A_58 = tpu.memref_squeeze %dma_wait3A_57 : memref<1x2500x128xi32, #tpu.memory_space<hbm>> -> memref<2500x128xi32, #tpu.memory_space<hbm>>
    %dma_wait3A_59 = arith.constant 0 : i32
    %dma_wait3A_60 = tpu.memref_slice %dma_wait3A_58[%add3A_4, %dma_wait3A_59] : memref<2500x128xi32, #tpu.memory_space<hbm>> -> memref<32x128xi32, #tpu.memory_space<hbm>>
    %dma_wait3A_61 = arith.constant 0 : i32
    %dma_wait3A_62 = arith.constant 0 : i32
    %dma_wait3A_63 = tpu.memref_slice %arg7[%dma_wait3A_61, %dma_wait3A_62] : memref<32x128xi32, #tpu.memory_space<vmem>> -> memref<32x128xi32, #tpu.memory_space<vmem>>
    %dma_wait3A_64 = arith.constant 0 : i32
    %dma_wait3A_65 = arith.constant 0 : i32
    %dma_wait3A_66 = tpu.memref_slice %arg3[%dma_wait3A, %dma_wait3A_64, %dma_wait3A_65] : memref<2x2500x128xi32, #tpu.memory_space<hbm>> -> memref<1x2500x128xi32, #tpu.memory_space<hbm>>
    %dma_wait3A_67 = tpu.memref_squeeze %dma_wait3A_66 : memref<1x2500x128xi32, #tpu.memory_space<hbm>> -> memref<2500x128xi32, #tpu.memory_space<hbm>>
    %dma_wait3A_68 = arith.constant 0 : i32
    %dma_wait3A_69 = tpu.memref_slice %dma_wait3A_67[%add3A_4, %dma_wait3A_68] : memref<2500x128xi32, #tpu.memory_space<hbm>> -> memref<32x128xi32, #tpu.memory_space<hbm>>
    tpu.wait_dma2 semaphore(%arg16 : memref<!tpu.dma_semaphore, #tpu.memory_space<semaphore_mem>>) src(%dma_wait3A_69 : memref<32x128xi32, #tpu.memory_space<hbm>>) dst(%dma_wait3A_63 : memref<32x128xi32, #tpu.memory_space<vmem>>)
    %dma_wait3A_70 = arith.constant 1 : i32
    %dma_wait3A_71 = arith.constant 0 : i32
    %dma_wait3A_72 = arith.constant 0 : i32
    %dma_wait3A_73 = tpu.memref_slice %arg8[%dma_wait3A_71, %dma_wait3A_72] : memref<32x128xi32, #tpu.memory_space<vmem>> -> memref<32x128xi32, #tpu.memory_space<vmem>>
    %dma_wait3A_74 = arith.constant 0 : i32
    %dma_wait3A_75 = arith.constant 0 : i32
    %dma_wait3A_76 = tpu.memref_slice %arg3[%dma_wait3A_70, %dma_wait3A_74, %dma_wait3A_75] : memref<2x2500x128xi32, #tpu.memory_space<hbm>> -> memref<1x2500x128xi32, #tpu.memory_space<hbm>>
    %dma_wait3A_77 = tpu.memref_squeeze %dma_wait3A_76 : memref<1x2500x128xi32, #tpu.memory_space<hbm>> -> memref<2500x128xi32, #tpu.memory_space<hbm>>
    %dma_wait3A_78 = arith.constant 0 : i32
    %dma_wait3A_79 = tpu.memref_slice %dma_wait3A_77[%add3A_4, %dma_wait3A_78] : memref<2500x128xi32, #tpu.memory_space<hbm>> -> memref<32x128xi32, #tpu.memory_space<hbm>>
    %dma_wait3A_80 = arith.constant 0 : i32
    %dma_wait3A_81 = arith.constant 0 : i32
    %dma_wait3A_82 = tpu.memref_slice %arg8[%dma_wait3A_80, %dma_wait3A_81] : memref<32x128xi32, #tpu.memory_space<vmem>> -> memref<32x128xi32, #tpu.memory_space<vmem>>
    %dma_wait3A_83 = arith.constant 0 : i32
    %dma_wait3A_84 = arith.constant 0 : i32
    %dma_wait3A_85 = tpu.memref_slice %arg3[%dma_wait3A_70, %dma_wait3A_83, %dma_wait3A_84] : memref<2x2500x128xi32, #tpu.memory_space<hbm>> -> memref<1x2500x128xi32, #tpu.memory_space<hbm>>
    %dma_wait3A_86 = tpu.memref_squeeze %dma_wait3A_85 : memref<1x2500x128xi32, #tpu.memory_space<hbm>> -> memref<2500x128xi32, #tpu.memory_space<hbm>>
    %dma_wait3A_87 = arith.constant 0 : i32
    %dma_wait3A_88 = tpu.memref_slice %dma_wait3A_86[%add3A_4, %dma_wait3A_87] : memref<2500x128xi32, #tpu.memory_space<hbm>> -> memref<32x128xi32, #tpu.memory_space<hbm>>
    tpu.wait_dma2 semaphore(%arg16 : memref<!tpu.dma_semaphore, #tpu.memory_space<semaphore_mem>>) src(%dma_wait3A_88 : memref<32x128xi32, #tpu.memory_space<hbm>>) dst(%dma_wait3A_82 : memref<32x128xi32, #tpu.memory_space<vmem>>)
    %dma_start3A_89 = arith.constant 0 : i32
    %dma_start3A_90 = arith.constant 0 : i32
    %dma_start3A_91 = arith.constant 0 : i32
    %dma_start3A_92 = tpu.memref_slice %arg9[%dma_start3A_90, %dma_start3A_91] : memref<32x128xi32, #tpu.memory_space<vmem>> -> memref<32x128xi32, #tpu.memory_space<vmem>>
    %dma_start3A_93 = arith.constant 0 : i32
    %dma_start3A_94 = arith.constant 0 : i32
    %dma_start3A_95 = tpu.memref_slice %arg3[%dma_start3A_89, %dma_start3A_93, %dma_start3A_94] : memref<2x2500x128xi32, #tpu.memory_space<hbm>> -> memref<1x2500x128xi32, #tpu.memory_space<hbm>>
    %dma_start3A_96 = tpu.memref_squeeze %dma_start3A_95 : memref<1x2500x128xi32, #tpu.memory_space<hbm>> -> memref<2500x128xi32, #tpu.memory_space<hbm>>
    %dma_start3A_97 = arith.constant 0 : i32
    %dma_start3A_98 = tpu.memref_slice %dma_start3A_96[%add3A_8, %dma_start3A_97] : memref<2500x128xi32, #tpu.memory_space<hbm>> -> memref<32x128xi32, #tpu.memory_space<hbm>>
    %dma_start3A_99 = arith.constant 0 : i32
    %dma_start3A_100 = arith.constant 0 : i32
    %dma_start3A_101 = tpu.memref_slice %arg9[%dma_start3A_99, %dma_start3A_100] : memref<32x128xi32, #tpu.memory_space<vmem>> -> memref<32x128xi32, #tpu.memory_space<vmem>>
    %dma_start3A_102 = arith.constant 0 : i32
    %dma_start3A_103 = arith.constant 0 : i32
    %dma_start3A_104 = tpu.memref_slice %arg3[%dma_start3A_89, %dma_start3A_102, %dma_start3A_103] : memref<2x2500x128xi32, #tpu.memory_space<hbm>> -> memref<1x2500x128xi32, #tpu.memory_space<hbm>>
    %dma_start3A_105 = tpu.memref_squeeze %dma_start3A_104 : memref<1x2500x128xi32, #tpu.memory_space<hbm>> -> memref<2500x128xi32, #tpu.memory_space<hbm>>
    %dma_start3A_106 = arith.constant 0 : i32
    %dma_start3A_107 = tpu.memref_slice %dma_start3A_105[%add3A_8, %dma_start3A_106] : memref<2500x128xi32, #tpu.memory_space<hbm>> -> memref<32x128xi32, #tpu.memory_space<hbm>>
    tpu.enqueue_dma source(%dma_start3A_107 : memref<32x128xi32, #tpu.memory_space<hbm>>) target(%dma_start3A_101 : memref<32x128xi32, #tpu.memory_space<vmem>>) target_semaphore(%arg17 : memref<!tpu.dma_semaphore, #tpu.memory_space<semaphore_mem>>)
    %dma_start3A_108 = arith.constant 1 : i32
    %dma_start3A_109 = arith.constant 0 : i32
    %dma_start3A_110 = arith.constant 0 : i32
    %dma_start3A_111 = tpu.memref_slice %arg10[%dma_start3A_109, %dma_start3A_110] : memref<32x128xi32, #tpu.memory_space<vmem>> -> memref<32x128xi32, #tpu.memory_space<vmem>>
    %dma_start3A_112 = arith.constant 0 : i32
    %dma_start3A_113 = arith.constant 0 : i32
    %dma_start3A_114 = tpu.memref_slice %arg3[%dma_start3A_108, %dma_start3A_112, %dma_start3A_113] : memref<2x2500x128xi32, #tpu.memory_space<hbm>> -> memref<1x2500x128xi32, #tpu.memory_space<hbm>>
    %dma_start3A_115 = tpu.memref_squeeze %dma_start3A_114 : memref<1x2500x128xi32, #tpu.memory_space<hbm>> -> memref<2500x128xi32, #tpu.memory_space<hbm>>
    %dma_start3A_116 = arith.constant 0 : i32
    %dma_start3A_117 = tpu.memref_slice %dma_start3A_115[%add3A_8, %dma_start3A_116] : memref<2500x128xi32, #tpu.memory_space<hbm>> -> memref<32x128xi32, #tpu.memory_space<hbm>>
    %dma_start3A_118 = arith.constant 0 : i32
    %dma_start3A_119 = arith.constant 0 : i32
    %dma_start3A_120 = tpu.memref_slice %arg10[%dma_start3A_118, %dma_start3A_119] : memref<32x128xi32, #tpu.memory_space<vmem>> -> memref<32x128xi32, #tpu.memory_space<vmem>>
    %dma_start3A_121 = arith.constant 0 : i32
    %dma_start3A_122 = arith.constant 0 : i32
    %dma_start3A_123 = tpu.memref_slice %arg3[%dma_start3A_108, %dma_start3A_121, %dma_start3A_122] : memref<2x2500x128xi32, #tpu.memory_space<hbm>> -> memref<1x2500x128xi32, #tpu.memory_space<hbm>>
    %dma_start3A_124 = tpu.memref_squeeze %dma_start3A_123 : memref<1x2500x128xi32, #tpu.memory_space<hbm>> -> memref<2500x128xi32, #tpu.memory_space<hbm>>
    %dma_start3A_125 = arith.constant 0 : i32
    %dma_start3A_126 = tpu.memref_slice %dma_start3A_124[%add3A_8, %dma_start3A_125] : memref<2500x128xi32, #tpu.memory_space<hbm>> -> memref<32x128xi32, #tpu.memory_space<hbm>>
    tpu.enqueue_dma source(%dma_start3A_126 : memref<32x128xi32, #tpu.memory_space<hbm>>) target(%dma_start3A_120 : memref<32x128xi32, #tpu.memory_space<vmem>>) target_semaphore(%arg17 : memref<!tpu.dma_semaphore, #tpu.memory_space<semaphore_mem>>)
    %dma_start3A_127 = arith.constant 0 : i32
    %dma_start3A_128 = arith.constant 0 : i32
    %dma_start3A_129 = tpu.memref_slice %arg7[%dma_start3A_127, %dma_start3A_128] : memref<32x128xi32, #tpu.memory_space<vmem>> -> memref<1x128xi32, #tpu.memory_space<vmem>>
    %dma_start3A_130 = tpu.memref_squeeze %dma_start3A_129 : memref<1x128xi32, #tpu.memory_space<vmem>> -> memref<128xi32, #tpu.memory_space<vmem>>
    %dma_start3A_131 = arith.constant 0 : i32
    %dma_start3A_132 = arith.constant 0 : i32
    %dma_start3A_133 = tpu.memref_slice %arg2[%dma_start3A_131, %dma_start3A_132] : memref<10000x128xf32, #tpu.memory_space<hbm>> -> memref<10000x128xf32, #tpu.memory_space<hbm>>
    tpu.enqueue_indirect_dma source(%dma_start3A_133 : memref<10000x128xf32, #tpu.memory_space<hbm>>) target(%arg11 : memref<128x128xf32, #tpu.memory_space<vmem>>) offsets(%dma_start3A_130 : memref<128xi32, #tpu.memory_space<vmem>>) semaphore(%arg14 : memref<!tpu.dma_semaphore, #tpu.memory_space<semaphore_mem>>)
    %dma_start3A_134 = arith.constant 1 : i32
    %dma_start3A_135 = arith.constant 0 : i32
    %dma_start3A_136 = tpu.memref_slice %arg7[%dma_start3A_134, %dma_start3A_135] : memref<32x128xi32, #tpu.memory_space<vmem>> -> memref<1x128xi32, #tpu.memory_space<vmem>>
    %dma_start3A_137 = tpu.memref_squeeze %dma_start3A_136 : memref<1x128xi32, #tpu.memory_space<vmem>> -> memref<128xi32, #tpu.memory_space<vmem>>
    %dma_start3A_138 = arith.constant 0 : i32
    %dma_start3A_139 = arith.constant 0 : i32
    %dma_start3A_140 = tpu.memref_slice %arg2[%dma_start3A_138, %dma_start3A_139] : memref<10000x128xf32, #tpu.memory_space<hbm>> -> memref<10000x128xf32, #tpu.memory_space<hbm>>
    tpu.enqueue_indirect_dma source(%dma_start3A_140 : memref<10000x128xf32, #tpu.memory_space<hbm>>) target(%arg12 : memref<128x128xf32, #tpu.memory_space<vmem>>) offsets(%dma_start3A_137 : memref<128xi32, #tpu.memory_space<vmem>>) semaphore(%arg15 : memref<!tpu.dma_semaphore, #tpu.memory_space<semaphore_mem>>)
    %mul3A_141 = arith.constant 632 : i32
    %mul3A_142 = arith.muli %arg1, %mul3A_141 : i32
    "tpu.region"() ({
      %run_scoped3A = tpu.sem_alloc : memref<!tpu.dma_semaphore, #tpu.memory_space<semaphore_mem>>
      %dma_start3A_399 = arith.constant 0 : i32
      %dma_start3A_400 = tpu.memref_slice %arg13[%mul3A_142, %dma_start3A_399] : memref<10112x128xf32, #tpu.memory_space<vmem_shared>> -> memref<632x128xf32, #tpu.memory_space<vmem_shared>>
      tpu.enqueue_dma source(%arg5 : memref<632x128xf32, #tpu.memory_space<hbm>>) target(%dma_start3A_400 : memref<632x128xf32, #tpu.memory_space<vmem_shared>>) target_semaphore(%run_scoped3A : memref<!tpu.dma_semaphore, #tpu.memory_space<semaphore_mem>>)
      %dma_wait3A_401 = arith.constant 0 : i32
      %dma_wait3A_402 = tpu.memref_slice %arg13[%mul3A_142, %dma_wait3A_401] : memref<10112x128xf32, #tpu.memory_space<vmem_shared>> -> memref<632x128xf32, #tpu.memory_space<vmem_shared>>
      tpu.wait_dma2 semaphore(%run_scoped3A : memref<!tpu.dma_semaphore, #tpu.memory_space<semaphore_mem>>) src(%arg5 : memref<632x128xf32, #tpu.memory_space<hbm>>) dst(%dma_wait3A_402 : memref<632x128xf32, #tpu.memory_space<vmem_shared>>)
      tpu.yield
    }) : () -> ()
    %barrier3A = arith.constant 0 : index
    tpu.barrier barrier_id(%barrier3A)
    %scan3A = arith.constant 0 : i32
    %scan3A_143 = arith.constant 16 : i32
    %scan3A_144 = arith.addi %scan3A, %scan3A_143 : i32
    %scan3A_145 = arith.constant 1 : i32
    scf.for %scan3A_399 = %scan3A to %scan3A_144 step %scan3A_145  : i32 {
      %mul3A_400 = arith.constant 2 : i32
      %mul3A_401 = arith.muli %scan3A_399, %mul3A_400 : i32
      %add3A_402 = arith.constant 0 : i32
      %add3A_403 = arith.addi %add3A_402, %mul3A_401 : i32
      %dma_wait3A_404 = arith.constant 0 : i32
      %dma_wait3A_405 = tpu.memref_slice %arg7[%add3A_403, %dma_wait3A_404] : memref<32x128xi32, #tpu.memory_space<vmem>> -> memref<1x128xi32, #tpu.memory_space<vmem>>
      %dma_wait3A_406 = tpu.memref_squeeze %dma_wait3A_405 : memref<1x128xi32, #tpu.memory_space<vmem>> -> memref<128xi32, #tpu.memory_space<vmem>>
      %dma_wait3A_407 = arith.constant 0 : i32
      %dma_wait3A_408 = arith.constant 0 : i32
      %dma_wait3A_409 = tpu.memref_slice %arg2[%dma_wait3A_407, %dma_wait3A_408] : memref<10000x128xf32, #tpu.memory_space<hbm>> -> memref<10000x128xf32, #tpu.memory_space<hbm>>
      tpu.wait_indirect_dma semaphore(%arg14 : memref<!tpu.dma_semaphore, #tpu.memory_space<semaphore_mem>>) src(%dma_wait3A_409 : memref<10000x128xf32, #tpu.memory_space<hbm>>) dst(%arg11 : memref<128x128xf32, #tpu.memory_space<vmem>>)
      "tpu.region"() ({
        %run_scoped3A = tpu.sem_alloc : memref<!tpu.dma_semaphore, #tpu.memory_space<semaphore_mem>>
        %dma_start3A_431 = arith.constant 0 : i32
        %dma_start3A_432 = tpu.memref_slice %arg8[%add3A_403, %dma_start3A_431] : memref<32x128xi32, #tpu.memory_space<vmem>> -> memref<1x128xi32, #tpu.memory_space<vmem>>
        %dma_start3A_433 = tpu.memref_squeeze %dma_start3A_432 : memref<1x128xi32, #tpu.memory_space<vmem>> -> memref<128xi32, #tpu.memory_space<vmem>>
        %dma_start3A_434 = arith.constant 0 : i32
        %dma_start3A_435 = arith.constant 0 : i32
        %dma_start3A_436 = tpu.memref_slice %arg13[%dma_start3A_434, %dma_start3A_435] : memref<10112x128xf32, #tpu.memory_space<vmem_shared>> -> memref<10112x128xf32, #tpu.memory_space<vmem_shared>>
        tpu.enqueue_indirect_dma source(%arg11 : memref<128x128xf32, #tpu.memory_space<vmem>>) target(%dma_start3A_436 : memref<10112x128xf32, #tpu.memory_space<vmem_shared>>) offsets(%dma_start3A_433 : memref<128xi32, #tpu.memory_space<vmem>>) semaphore(%run_scoped3A : memref<!tpu.dma_semaphore, #tpu.memory_space<semaphore_mem>>) {add = true}
        %dma_wait3A_437 = arith.constant 0 : i32
        %dma_wait3A_438 = tpu.memref_slice %arg8[%add3A_403, %dma_wait3A_437] : memref<32x128xi32, #tpu.memory_space<vmem>> -> memref<1x128xi32, #tpu.memory_space<vmem>>
        %dma_wait3A_439 = tpu.memref_squeeze %dma_wait3A_438 : memref<1x128xi32, #tpu.memory_space<vmem>> -> memref<128xi32, #tpu.memory_space<vmem>>
        %dma_wait3A_440 = arith.constant 0 : i32
        %dma_wait3A_441 = arith.constant 0 : i32
        %dma_wait3A_442 = tpu.memref_slice %arg13[%dma_wait3A_440, %dma_wait3A_441] : memref<10112x128xf32, #tpu.memory_space<vmem_shared>> -> memref<10112x128xf32, #tpu.memory_space<vmem_shared>>
        tpu.wait_indirect_dma semaphore(%run_scoped3A : memref<!tpu.dma_semaphore, #tpu.memory_space<semaphore_mem>>) src(%arg11 : memref<128x128xf32, #tpu.memory_space<vmem>>) dst(%dma_wait3A_442 : memref<10112x128xf32, #tpu.memory_space<vmem_shared>>)
        tpu.yield
      }) : () -> ()
      %add3A_410 = arith.constant 2 : i32
      %add3A_411 = arith.addi %add3A_403, %add3A_410 : i32
      %lt3A = arith.constant 32 : i32
      %lt3A_412 = arith.cmpi slt, %add3A_411, %lt3A : i32
      %convert_element_type3A = arith.extui %lt3A_412 : i1 to i32
      %cond3A = arith.constant 0 : i32
      %cond3A_413 = arith.cmpi ne, %convert_element_type3A, %cond3A : i32
      scf.if %cond3A_413 {
        %add3A_431 = arith.constant 2 : i32
        %add3A_432 = arith.addi %add3A_403, %add3A_431 : i32
        %dma_start3A_433 = arith.constant 0 : i32
        %dma_start3A_434 = tpu.memref_slice %arg7[%add3A_432, %dma_start3A_433] : memref<32x128xi32, #tpu.memory_space<vmem>> -> memref<1x128xi32, #tpu.memory_space<vmem>>
        %dma_start3A_435 = tpu.memref_squeeze %dma_start3A_434 : memref<1x128xi32, #tpu.memory_space<vmem>> -> memref<128xi32, #tpu.memory_space<vmem>>
        %dma_start3A_436 = arith.constant 0 : i32
        %dma_start3A_437 = arith.constant 0 : i32
        %dma_start3A_438 = tpu.memref_slice %arg2[%dma_start3A_436, %dma_start3A_437] : memref<10000x128xf32, #tpu.memory_space<hbm>> -> memref<10000x128xf32, #tpu.memory_space<hbm>>
        tpu.enqueue_indirect_dma source(%dma_start3A_438 : memref<10000x128xf32, #tpu.memory_space<hbm>>) target(%arg11 : memref<128x128xf32, #tpu.memory_space<vmem>>) offsets(%dma_start3A_435 : memref<128xi32, #tpu.memory_space<vmem>>) semaphore(%arg14 : memref<!tpu.dma_semaphore, #tpu.memory_space<semaphore_mem>>)
      } else {
      }
      %add3A_414 = arith.constant 1 : i32
      %add3A_415 = arith.addi %add3A_403, %add3A_414 : i32
      %dma_wait3A_416 = arith.constant 0 : i32
      %dma_wait3A_417 = tpu.memref_slice %arg7[%add3A_415, %dma_wait3A_416] : memref<32x128xi32, #tpu.memory_space<vmem>> -> memref<1x128xi32, #tpu.memory_space<vmem>>
      %dma_wait3A_418 = tpu.memref_squeeze %dma_wait3A_417 : memref<1x128xi32, #tpu.memory_space<vmem>> -> memref<128xi32, #tpu.memory_space<vmem>>
      %dma_wait3A_419 = arith.constant 0 : i32
      %dma_wait3A_420 = arith.constant 0 : i32
      %dma_wait3A_421 = tpu.memref_slice %arg2[%dma_wait3A_419, %dma_wait3A_420] : memref<10000x128xf32, #tpu.memory_space<hbm>> -> memref<10000x128xf32, #tpu.memory_space<hbm>>
      tpu.wait_indirect_dma semaphore(%arg15 : memref<!tpu.dma_semaphore, #tpu.memory_space<semaphore_mem>>) src(%dma_wait3A_421 : memref<10000x128xf32, #tpu.memory_space<hbm>>) dst(%arg12 : memref<128x128xf32, #tpu.memory_space<vmem>>)
      %add3A_422 = arith.constant 1 : i32
      %add3A_423 = arith.addi %add3A_403, %add3A_422 : i32
      "tpu.region"() ({
        %run_scoped3A = tpu.sem_alloc : memref<!tpu.dma_semaphore, #tpu.memory_space<semaphore_mem>>
        %dma_start3A_431 = arith.constant 0 : i32
        %dma_start3A_432 = tpu.memref_slice %arg8[%add3A_423, %dma_start3A_431] : memref<32x128xi32, #tpu.memory_space<vmem>> -> memref<1x128xi32, #tpu.memory_space<vmem>>
        %dma_start3A_433 = tpu.memref_squeeze %dma_start3A_432 : memref<1x128xi32, #tpu.memory_space<vmem>> -> memref<128xi32, #tpu.memory_space<vmem>>
        %dma_start3A_434 = arith.constant 0 : i32
        %dma_start3A_435 = arith.constant 0 : i32
        %dma_start3A_436 = tpu.memref_slice %arg13[%dma_start3A_434, %dma_start3A_435] : memref<10112x128xf32, #tpu.memory_space<vmem_shared>> -> memref<10112x128xf32, #tpu.memory_space<vmem_shared>>
        tpu.enqueue_indirect_dma source(%arg12 : memref<128x128xf32, #tpu.memory_space<vmem>>) target(%dma_start3A_436 : memref<10112x128xf32, #tpu.memory_space<vmem_shared>>) offsets(%dma_start3A_433 : memref<128xi32, #tpu.memory_space<vmem>>) semaphore(%run_scoped3A : memref<!tpu.dma_semaphore, #tpu.memory_space<semaphore_mem>>) {add = true}
        %dma_wait3A_437 = arith.constant 0 : i32
        %dma_wait3A_438 = tpu.memref_slice %arg8[%add3A_423, %dma_wait3A_437] : memref<32x128xi32, #tpu.memory_space<vmem>> -> memref<1x128xi32, #tpu.memory_space<vmem>>
        %dma_wait3A_439 = tpu.memref_squeeze %dma_wait3A_438 : memref<1x128xi32, #tpu.memory_space<vmem>> -> memref<128xi32, #tpu.memory_space<vmem>>
        %dma_wait3A_440 = arith.constant 0 : i32
        %dma_wait3A_441 = arith.constant 0 : i32
        %dma_wait3A_442 = tpu.memref_slice %arg13[%dma_wait3A_440, %dma_wait3A_441] : memref<10112x128xf32, #tpu.memory_space<vmem_shared>> -> memref<10112x128xf32, #tpu.memory_space<vmem_shared>>
        tpu.wait_indirect_dma semaphore(%run_scoped3A : memref<!tpu.dma_semaphore, #tpu.memory_space<semaphore_mem>>) src(%arg12 : memref<128x128xf32, #tpu.memory_space<vmem>>) dst(%dma_wait3A_442 : memref<10112x128xf32, #tpu.memory_space<vmem_shared>>)
        tpu.yield
      }) : () -> ()
      %add3A_424 = arith.constant 3 : i32
      %add3A_425 = arith.addi %add3A_403, %add3A_424 : i32
      %lt3A_426 = arith.constant 32 : i32
      %lt3A_427 = arith.cmpi slt, %add3A_425, %lt3A_426 : i32
      %convert_element_type3A_428 = arith.extui %lt3A_427 : i1 to i32
      %cond3A_429 = arith.constant 0 : i32
      %cond3A_430 = arith.cmpi ne, %convert_element_type3A_428, %cond3A_429 : i32
      scf.if %cond3A_430 {
        %add3A_431 = arith.constant 3 : i32
        %add3A_432 = arith.addi %add3A_403, %add3A_431 : i32
        %dma_start3A_433 = arith.constant 0 : i32
        %dma_start3A_434 = tpu.memref_slice %arg7[%add3A_432, %dma_start3A_433] : memref<32x128xi32, #tpu.memory_space<vmem>> -> memref<1x128xi32, #tpu.memory_space<vmem>>
        %dma_start3A_435 = tpu.memref_squeeze %dma_start3A_434 : memref<1x128xi32, #tpu.memory_space<vmem>> -> memref<128xi32, #tpu.memory_space<vmem>>
        %dma_start3A_436 = arith.constant 0 : i32
        %dma_start3A_437 = arith.constant 0 : i32
        %dma_start3A_438 = tpu.memref_slice %arg2[%dma_start3A_436, %dma_start3A_437] : memref<10000x128xf32, #tpu.memory_space<hbm>> -> memref<10000x128xf32, #tpu.memory_space<hbm>>
        tpu.enqueue_indirect_dma source(%dma_start3A_438 : memref<10000x128xf32, #tpu.memory_space<hbm>>) target(%arg12 : memref<128x128xf32, #tpu.memory_space<vmem>>) offsets(%dma_start3A_435 : memref<128xi32, #tpu.memory_space<vmem>>) semaphore(%arg15 : memref<!tpu.dma_semaphore, #tpu.memory_space<semaphore_mem>>)
      } else {
      }
    }
    %scan3A_146 = arith.constant 16 : i32
    %dma_wait3A_147 = arith.constant 0 : i32
    %dma_wait3A_148 = arith.constant 0 : i32
    %dma_wait3A_149 = arith.constant 0 : i32
    %dma_wait3A_150 = tpu.memref_slice %arg9[%dma_wait3A_148, %dma_wait3A_149] : memref<32x128xi32, #tpu.memory_space<vmem>> -> memref<32x128xi32, #tpu.memory_space<vmem>>
    %dma_wait3A_151 = arith.constant 0 : i32
    %dma_wait3A_152 = arith.constant 0 : i32
    %dma_wait3A_153 = tpu.memref_slice %arg3[%dma_wait3A_147, %dma_wait3A_151, %dma_wait3A_152] : memref<2x2500x128xi32, #tpu.memory_space<hbm>> -> memref<1x2500x128xi32, #tpu.memory_space<hbm>>
    %dma_wait3A_154 = tpu.memref_squeeze %dma_wait3A_153 : memref<1x2500x128xi32, #tpu.memory_space<hbm>> -> memref<2500x128xi32, #tpu.memory_space<hbm>>
    %dma_wait3A_155 = arith.constant 0 : i32
    %dma_wait3A_156 = tpu.memref_slice %dma_wait3A_154[%add3A_8, %dma_wait3A_155] : memref<2500x128xi32, #tpu.memory_space<hbm>> -> memref<32x128xi32, #tpu.memory_space<hbm>>
    %dma_wait3A_157 = arith.constant 0 : i32
    %dma_wait3A_158 = arith.constant 0 : i32
    %dma_wait3A_159 = tpu.memref_slice %arg9[%dma_wait3A_157, %dma_wait3A_158] : memref<32x128xi32, #tpu.memory_space<vmem>> -> memref<32x128xi32, #tpu.memory_space<vmem>>
    %dma_wait3A_160 = arith.constant 0 : i32
    %dma_wait3A_161 = arith.constant 0 : i32
    %dma_wait3A_162 = tpu.memref_slice %arg3[%dma_wait3A_147, %dma_wait3A_160, %dma_wait3A_161] : memref<2x2500x128xi32, #tpu.memory_space<hbm>> -> memref<1x2500x128xi32, #tpu.memory_space<hbm>>
    %dma_wait3A_163 = tpu.memref_squeeze %dma_wait3A_162 : memref<1x2500x128xi32, #tpu.memory_space<hbm>> -> memref<2500x128xi32, #tpu.memory_space<hbm>>
    %dma_wait3A_164 = arith.constant 0 : i32
    %dma_wait3A_165 = tpu.memref_slice %dma_wait3A_163[%add3A_8, %dma_wait3A_164] : memref<2500x128xi32, #tpu.memory_space<hbm>> -> memref<32x128xi32, #tpu.memory_space<hbm>>
    tpu.wait_dma2 semaphore(%arg17 : memref<!tpu.dma_semaphore, #tpu.memory_space<semaphore_mem>>) src(%dma_wait3A_165 : memref<32x128xi32, #tpu.memory_space<hbm>>) dst(%dma_wait3A_159 : memref<32x128xi32, #tpu.memory_space<vmem>>)
    %dma_wait3A_166 = arith.constant 1 : i32
    %dma_wait3A_167 = arith.constant 0 : i32
    %dma_wait3A_168 = arith.constant 0 : i32
    %dma_wait3A_169 = tpu.memref_slice %arg10[%dma_wait3A_167, %dma_wait3A_168] : memref<32x128xi32, #tpu.memory_space<vmem>> -> memref<32x128xi32, #tpu.memory_space<vmem>>
    %dma_wait3A_170 = arith.constant 0 : i32
    %dma_wait3A_171 = arith.constant 0 : i32
    %dma_wait3A_172 = tpu.memref_slice %arg3[%dma_wait3A_166, %dma_wait3A_170, %dma_wait3A_171] : memref<2x2500x128xi32, #tpu.memory_space<hbm>> -> memref<1x2500x128xi32, #tpu.memory_space<hbm>>
    %dma_wait3A_173 = tpu.memref_squeeze %dma_wait3A_172 : memref<1x2500x128xi32, #tpu.memory_space<hbm>> -> memref<2500x128xi32, #tpu.memory_space<hbm>>
    %dma_wait3A_174 = arith.constant 0 : i32
    %dma_wait3A_175 = tpu.memref_slice %dma_wait3A_173[%add3A_8, %dma_wait3A_174] : memref<2500x128xi32, #tpu.memory_space<hbm>> -> memref<32x128xi32, #tpu.memory_space<hbm>>
    %dma_wait3A_176 = arith.constant 0 : i32
    %dma_wait3A_177 = arith.constant 0 : i32
    %dma_wait3A_178 = tpu.memref_slice %arg10[%dma_wait3A_176, %dma_wait3A_177] : memref<32x128xi32, #tpu.memory_space<vmem>> -> memref<32x128xi32, #tpu.memory_space<vmem>>
    %dma_wait3A_179 = arith.constant 0 : i32
    %dma_wait3A_180 = arith.constant 0 : i32
    %dma_wait3A_181 = tpu.memref_slice %arg3[%dma_wait3A_166, %dma_wait3A_179, %dma_wait3A_180] : memref<2x2500x128xi32, #tpu.memory_space<hbm>> -> memref<1x2500x128xi32, #tpu.memory_space<hbm>>
    %dma_wait3A_182 = tpu.memref_squeeze %dma_wait3A_181 : memref<1x2500x128xi32, #tpu.memory_space<hbm>> -> memref<2500x128xi32, #tpu.memory_space<hbm>>
    %dma_wait3A_183 = arith.constant 0 : i32
    %dma_wait3A_184 = tpu.memref_slice %dma_wait3A_182[%add3A_8, %dma_wait3A_183] : memref<2500x128xi32, #tpu.memory_space<hbm>> -> memref<32x128xi32, #tpu.memory_space<hbm>>
    tpu.wait_dma2 semaphore(%arg17 : memref<!tpu.dma_semaphore, #tpu.memory_space<semaphore_mem>>) src(%dma_wait3A_184 : memref<32x128xi32, #tpu.memory_space<hbm>>) dst(%dma_wait3A_178 : memref<32x128xi32, #tpu.memory_space<vmem>>)
    %dma_start3A_185 = arith.constant 0 : i32
    %dma_start3A_186 = arith.constant 0 : i32
    %dma_start3A_187 = tpu.memref_slice %arg9[%dma_start3A_185, %dma_start3A_186] : memref<32x128xi32, #tpu.memory_space<vmem>> -> memref<1x128xi32, #tpu.memory_space<vmem>>
    %dma_start3A_188 = tpu.memref_squeeze %dma_start3A_187 : memref<1x128xi32, #tpu.memory_space<vmem>> -> memref<128xi32, #tpu.memory_space<vmem>>
    %dma_start3A_189 = arith.constant 0 : i32
    %dma_start3A_190 = arith.constant 0 : i32
    %dma_start3A_191 = tpu.memref_slice %arg2[%dma_start3A_189, %dma_start3A_190] : memref<10000x128xf32, #tpu.memory_space<hbm>> -> memref<10000x128xf32, #tpu.memory_space<hbm>>
    tpu.enqueue_indirect_dma source(%dma_start3A_191 : memref<10000x128xf32, #tpu.memory_space<hbm>>) target(%arg11 : memref<128x128xf32, #tpu.memory_space<vmem>>) offsets(%dma_start3A_188 : memref<128xi32, #tpu.memory_space<vmem>>) semaphore(%arg14 : memref<!tpu.dma_semaphore, #tpu.memory_space<semaphore_mem>>)
    %dma_start3A_192 = arith.constant 1 : i32
    %dma_start3A_193 = arith.constant 0 : i32
    %dma_start3A_194 = tpu.memref_slice %arg9[%dma_start3A_192, %dma_start3A_193] : memref<32x128xi32, #tpu.memory_space<vmem>> -> memref<1x128xi32, #tpu.memory_space<vmem>>
    %dma_start3A_195 = tpu.memref_squeeze %dma_start3A_194 : memref<1x128xi32, #tpu.memory_space<vmem>> -> memref<128xi32, #tpu.memory_space<vmem>>
    %dma_start3A_196 = arith.constant 0 : i32
    %dma_start3A_197 = arith.constant 0 : i32
    %dma_start3A_198 = tpu.memref_slice %arg2[%dma_start3A_196, %dma_start3A_197] : memref<10000x128xf32, #tpu.memory_space<hbm>> -> memref<10000x128xf32, #tpu.memory_space<hbm>>
    tpu.enqueue_indirect_dma source(%dma_start3A_198 : memref<10000x128xf32, #tpu.memory_space<hbm>>) target(%arg12 : memref<128x128xf32, #tpu.memory_space<vmem>>) offsets(%dma_start3A_195 : memref<128xi32, #tpu.memory_space<vmem>>) semaphore(%arg15 : memref<!tpu.dma_semaphore, #tpu.memory_space<semaphore_mem>>)
    %dma_start3A_199 = arith.constant 0 : i32
    %dma_start3A_200 = arith.constant 0 : i32
    %dma_start3A_201 = arith.constant 0 : i32
    %dma_start3A_202 = tpu.memref_slice %arg7[%dma_start3A_200, %dma_start3A_201] : memref<32x128xi32, #tpu.memory_space<vmem>> -> memref<8x128xi32, #tpu.memory_space<vmem>>
    %dma_start3A_203 = arith.constant 0 : i32
    %dma_start3A_204 = arith.constant 0 : i32
    %dma_start3A_205 = tpu.memref_slice %arg3[%dma_start3A_199, %dma_start3A_203, %dma_start3A_204] : memref<2x2500x128xi32, #tpu.memory_space<hbm>> -> memref<1x2500x128xi32, #tpu.memory_space<hbm>>
    %dma_start3A_206 = tpu.memref_squeeze %dma_start3A_205 : memref<1x2500x128xi32, #tpu.memory_space<hbm>> -> memref<2500x128xi32, #tpu.memory_space<hbm>>
    %dma_start3A_207 = arith.constant 0 : i32
    %dma_start3A_208 = tpu.memref_slice %dma_start3A_206[%add3A_12, %dma_start3A_207] : memref<2500x128xi32, #tpu.memory_space<hbm>> -> memref<8x128xi32, #tpu.memory_space<hbm>>
    %dma_start3A_209 = arith.constant 0 : i32
    %dma_start3A_210 = arith.constant 0 : i32
    %dma_start3A_211 = tpu.memref_slice %arg7[%dma_start3A_209, %dma_start3A_210] : memref<32x128xi32, #tpu.memory_space<vmem>> -> memref<8x128xi32, #tpu.memory_space<vmem>>
    %dma_start3A_212 = arith.constant 0 : i32
    %dma_start3A_213 = arith.constant 0 : i32
    %dma_start3A_214 = tpu.memref_slice %arg3[%dma_start3A_199, %dma_start3A_212, %dma_start3A_213] : memref<2x2500x128xi32, #tpu.memory_space<hbm>> -> memref<1x2500x128xi32, #tpu.memory_space<hbm>>
    %dma_start3A_215 = tpu.memref_squeeze %dma_start3A_214 : memref<1x2500x128xi32, #tpu.memory_space<hbm>> -> memref<2500x128xi32, #tpu.memory_space<hbm>>
    %dma_start3A_216 = arith.constant 0 : i32
    %dma_start3A_217 = tpu.memref_slice %dma_start3A_215[%add3A_12, %dma_start3A_216] : memref<2500x128xi32, #tpu.memory_space<hbm>> -> memref<8x128xi32, #tpu.memory_space<hbm>>
    tpu.enqueue_dma source(%dma_start3A_217 : memref<8x128xi32, #tpu.memory_space<hbm>>) target(%dma_start3A_211 : memref<8x128xi32, #tpu.memory_space<vmem>>) target_semaphore(%arg16 : memref<!tpu.dma_semaphore, #tpu.memory_space<semaphore_mem>>)
    %dma_start3A_218 = arith.constant 1 : i32
    %dma_start3A_219 = arith.constant 0 : i32
    %dma_start3A_220 = arith.constant 0 : i32
    %dma_start3A_221 = tpu.memref_slice %arg8[%dma_start3A_219, %dma_start3A_220] : memref<32x128xi32, #tpu.memory_space<vmem>> -> memref<8x128xi32, #tpu.memory_space<vmem>>
    %dma_start3A_222 = arith.constant 0 : i32
    %dma_start3A_223 = arith.constant 0 : i32
    %dma_start3A_224 = tpu.memref_slice %arg3[%dma_start3A_218, %dma_start3A_222, %dma_start3A_223] : memref<2x2500x128xi32, #tpu.memory_space<hbm>> -> memref<1x2500x128xi32, #tpu.memory_space<hbm>>
    %dma_start3A_225 = tpu.memref_squeeze %dma_start3A_224 : memref<1x2500x128xi32, #tpu.memory_space<hbm>> -> memref<2500x128xi32, #tpu.memory_space<hbm>>
    %dma_start3A_226 = arith.constant 0 : i32
    %dma_start3A_227 = tpu.memref_slice %dma_start3A_225[%add3A_12, %dma_start3A_226] : memref<2500x128xi32, #tpu.memory_space<hbm>> -> memref<8x128xi32, #tpu.memory_space<hbm>>
    %dma_start3A_228 = arith.constant 0 : i32
    %dma_start3A_229 = arith.constant 0 : i32
    %dma_start3A_230 = tpu.memref_slice %arg8[%dma_start3A_228, %dma_start3A_229] : memref<32x128xi32, #tpu.memory_space<vmem>> -> memref<8x128xi32, #tpu.memory_space<vmem>>
    %dma_start3A_231 = arith.constant 0 : i32
    %dma_start3A_232 = arith.constant 0 : i32
    %dma_start3A_233 = tpu.memref_slice %arg3[%dma_start3A_218, %dma_start3A_231, %dma_start3A_232] : memref<2x2500x128xi32, #tpu.memory_space<hbm>> -> memref<1x2500x128xi32, #tpu.memory_space<hbm>>
    %dma_start3A_234 = tpu.memref_squeeze %dma_start3A_233 : memref<1x2500x128xi32, #tpu.memory_space<hbm>> -> memref<2500x128xi32, #tpu.memory_space<hbm>>
    %dma_start3A_235 = arith.constant 0 : i32
    %dma_start3A_236 = tpu.memref_slice %dma_start3A_234[%add3A_12, %dma_start3A_235] : memref<2500x128xi32, #tpu.memory_space<hbm>> -> memref<8x128xi32, #tpu.memory_space<hbm>>
    tpu.enqueue_dma source(%dma_start3A_236 : memref<8x128xi32, #tpu.memory_space<hbm>>) target(%dma_start3A_230 : memref<8x128xi32, #tpu.memory_space<vmem>>) target_semaphore(%arg16 : memref<!tpu.dma_semaphore, #tpu.memory_space<semaphore_mem>>)
    %scan3A_237 = arith.constant 0 : i32
    %scan3A_238 = arith.constant 16 : i32
    %scan3A_239 = arith.addi %scan3A_237, %scan3A_238 : i32
    %scan3A_240 = arith.constant 1 : i32
    scf.for %scan3A_399 = %scan3A_237 to %scan3A_239 step %scan3A_240  : i32 {
      %mul3A_400 = arith.constant 2 : i32
      %mul3A_401 = arith.muli %scan3A_399, %mul3A_400 : i32
      %add3A_402 = arith.constant 0 : i32
      %add3A_403 = arith.addi %add3A_402, %mul3A_401 : i32
      %dma_wait3A_404 = arith.constant 0 : i32
      %dma_wait3A_405 = tpu.memref_slice %arg9[%add3A_403, %dma_wait3A_404] : memref<32x128xi32, #tpu.memory_space<vmem>> -> memref<1x128xi32, #tpu.memory_space<vmem>>
      %dma_wait3A_406 = tpu.memref_squeeze %dma_wait3A_405 : memref<1x128xi32, #tpu.memory_space<vmem>> -> memref<128xi32, #tpu.memory_space<vmem>>
      %dma_wait3A_407 = arith.constant 0 : i32
      %dma_wait3A_408 = arith.constant 0 : i32
      %dma_wait3A_409 = tpu.memref_slice %arg2[%dma_wait3A_407, %dma_wait3A_408] : memref<10000x128xf32, #tpu.memory_space<hbm>> -> memref<10000x128xf32, #tpu.memory_space<hbm>>
      tpu.wait_indirect_dma semaphore(%arg14 : memref<!tpu.dma_semaphore, #tpu.memory_space<semaphore_mem>>) src(%dma_wait3A_409 : memref<10000x128xf32, #tpu.memory_space<hbm>>) dst(%arg11 : memref<128x128xf32, #tpu.memory_space<vmem>>)
      "tpu.region"() ({
        %run_scoped3A = tpu.sem_alloc : memref<!tpu.dma_semaphore, #tpu.memory_space<semaphore_mem>>
        %dma_start3A_431 = arith.constant 0 : i32
        %dma_start3A_432 = tpu.memref_slice %arg10[%add3A_403, %dma_start3A_431] : memref<32x128xi32, #tpu.memory_space<vmem>> -> memref<1x128xi32, #tpu.memory_space<vmem>>
        %dma_start3A_433 = tpu.memref_squeeze %dma_start3A_432 : memref<1x128xi32, #tpu.memory_space<vmem>> -> memref<128xi32, #tpu.memory_space<vmem>>
        %dma_start3A_434 = arith.constant 0 : i32
        %dma_start3A_435 = arith.constant 0 : i32
        %dma_start3A_436 = tpu.memref_slice %arg13[%dma_start3A_434, %dma_start3A_435] : memref<10112x128xf32, #tpu.memory_space<vmem_shared>> -> memref<10112x128xf32, #tpu.memory_space<vmem_shared>>
        tpu.enqueue_indirect_dma source(%arg11 : memref<128x128xf32, #tpu.memory_space<vmem>>) target(%dma_start3A_436 : memref<10112x128xf32, #tpu.memory_space<vmem_shared>>) offsets(%dma_start3A_433 : memref<128xi32, #tpu.memory_space<vmem>>) semaphore(%run_scoped3A : memref<!tpu.dma_semaphore, #tpu.memory_space<semaphore_mem>>) {add = true}
        %dma_wait3A_437 = arith.constant 0 : i32
        %dma_wait3A_438 = tpu.memref_slice %arg10[%add3A_403, %dma_wait3A_437] : memref<32x128xi32, #tpu.memory_space<vmem>> -> memref<1x128xi32, #tpu.memory_space<vmem>>
        %dma_wait3A_439 = tpu.memref_squeeze %dma_wait3A_438 : memref<1x128xi32, #tpu.memory_space<vmem>> -> memref<128xi32, #tpu.memory_space<vmem>>
        %dma_wait3A_440 = arith.constant 0 : i32
        %dma_wait3A_441 = arith.constant 0 : i32
        %dma_wait3A_442 = tpu.memref_slice %arg13[%dma_wait3A_440, %dma_wait3A_441] : memref<10112x128xf32, #tpu.memory_space<vmem_shared>> -> memref<10112x128xf32, #tpu.memory_space<vmem_shared>>
        tpu.wait_indirect_dma semaphore(%run_scoped3A : memref<!tpu.dma_semaphore, #tpu.memory_space<semaphore_mem>>) src(%arg11 : memref<128x128xf32, #tpu.memory_space<vmem>>) dst(%dma_wait3A_442 : memref<10112x128xf32, #tpu.memory_space<vmem_shared>>)
        tpu.yield
      }) : () -> ()
      %add3A_410 = arith.constant 2 : i32
      %add3A_411 = arith.addi %add3A_403, %add3A_410 : i32
      %lt3A = arith.constant 32 : i32
      %lt3A_412 = arith.cmpi slt, %add3A_411, %lt3A : i32
      %convert_element_type3A = arith.extui %lt3A_412 : i1 to i32
      %cond3A = arith.constant 0 : i32
      %cond3A_413 = arith.cmpi ne, %convert_element_type3A, %cond3A : i32
      scf.if %cond3A_413 {
        %add3A_431 = arith.constant 2 : i32
        %add3A_432 = arith.addi %add3A_403, %add3A_431 : i32
        %dma_start3A_433 = arith.constant 0 : i32
        %dma_start3A_434 = tpu.memref_slice %arg9[%add3A_432, %dma_start3A_433] : memref<32x128xi32, #tpu.memory_space<vmem>> -> memref<1x128xi32, #tpu.memory_space<vmem>>
        %dma_start3A_435 = tpu.memref_squeeze %dma_start3A_434 : memref<1x128xi32, #tpu.memory_space<vmem>> -> memref<128xi32, #tpu.memory_space<vmem>>
        %dma_start3A_436 = arith.constant 0 : i32
        %dma_start3A_437 = arith.constant 0 : i32
        %dma_start3A_438 = tpu.memref_slice %arg2[%dma_start3A_436, %dma_start3A_437] : memref<10000x128xf32, #tpu.memory_space<hbm>> -> memref<10000x128xf32, #tpu.memory_space<hbm>>
        tpu.enqueue_indirect_dma source(%dma_start3A_438 : memref<10000x128xf32, #tpu.memory_space<hbm>>) target(%arg11 : memref<128x128xf32, #tpu.memory_space<vmem>>) offsets(%dma_start3A_435 : memref<128xi32, #tpu.memory_space<vmem>>) semaphore(%arg14 : memref<!tpu.dma_semaphore, #tpu.memory_space<semaphore_mem>>)
      } else {
      }
      %add3A_414 = arith.constant 1 : i32
      %add3A_415 = arith.addi %add3A_403, %add3A_414 : i32
      %dma_wait3A_416 = arith.constant 0 : i32
      %dma_wait3A_417 = tpu.memref_slice %arg9[%add3A_415, %dma_wait3A_416] : memref<32x128xi32, #tpu.memory_space<vmem>> -> memref<1x128xi32, #tpu.memory_space<vmem>>
      %dma_wait3A_418 = tpu.memref_squeeze %dma_wait3A_417 : memref<1x128xi32, #tpu.memory_space<vmem>> -> memref<128xi32, #tpu.memory_space<vmem>>
      %dma_wait3A_419 = arith.constant 0 : i32
      %dma_wait3A_420 = arith.constant 0 : i32
      %dma_wait3A_421 = tpu.memref_slice %arg2[%dma_wait3A_419, %dma_wait3A_420] : memref<10000x128xf32, #tpu.memory_space<hbm>> -> memref<10000x128xf32, #tpu.memory_space<hbm>>
      tpu.wait_indirect_dma semaphore(%arg15 : memref<!tpu.dma_semaphore, #tpu.memory_space<semaphore_mem>>) src(%dma_wait3A_421 : memref<10000x128xf32, #tpu.memory_space<hbm>>) dst(%arg12 : memref<128x128xf32, #tpu.memory_space<vmem>>)
      %add3A_422 = arith.constant 1 : i32
      %add3A_423 = arith.addi %add3A_403, %add3A_422 : i32
      "tpu.region"() ({
        %run_scoped3A = tpu.sem_alloc : memref<!tpu.dma_semaphore, #tpu.memory_space<semaphore_mem>>
        %dma_start3A_431 = arith.constant 0 : i32
        %dma_start3A_432 = tpu.memref_slice %arg10[%add3A_423, %dma_start3A_431] : memref<32x128xi32, #tpu.memory_space<vmem>> -> memref<1x128xi32, #tpu.memory_space<vmem>>
        %dma_start3A_433 = tpu.memref_squeeze %dma_start3A_432 : memref<1x128xi32, #tpu.memory_space<vmem>> -> memref<128xi32, #tpu.memory_space<vmem>>
        %dma_start3A_434 = arith.constant 0 : i32
        %dma_start3A_435 = arith.constant 0 : i32
        %dma_start3A_436 = tpu.memref_slice %arg13[%dma_start3A_434, %dma_start3A_435] : memref<10112x128xf32, #tpu.memory_space<vmem_shared>> -> memref<10112x128xf32, #tpu.memory_space<vmem_shared>>
        tpu.enqueue_indirect_dma source(%arg12 : memref<128x128xf32, #tpu.memory_space<vmem>>) target(%dma_start3A_436 : memref<10112x128xf32, #tpu.memory_space<vmem_shared>>) offsets(%dma_start3A_433 : memref<128xi32, #tpu.memory_space<vmem>>) semaphore(%run_scoped3A : memref<!tpu.dma_semaphore, #tpu.memory_space<semaphore_mem>>) {add = true}
        %dma_wait3A_437 = arith.constant 0 : i32
        %dma_wait3A_438 = tpu.memref_slice %arg10[%add3A_423, %dma_wait3A_437] : memref<32x128xi32, #tpu.memory_space<vmem>> -> memref<1x128xi32, #tpu.memory_space<vmem>>
        %dma_wait3A_439 = tpu.memref_squeeze %dma_wait3A_438 : memref<1x128xi32, #tpu.memory_space<vmem>> -> memref<128xi32, #tpu.memory_space<vmem>>
        %dma_wait3A_440 = arith.constant 0 : i32
        %dma_wait3A_441 = arith.constant 0 : i32
        %dma_wait3A_442 = tpu.memref_slice %arg13[%dma_wait3A_440, %dma_wait3A_441] : memref<10112x128xf32, #tpu.memory_space<vmem_shared>> -> memref<10112x128xf32, #tpu.memory_space<vmem_shared>>
        tpu.wait_indirect_dma semaphore(%run_scoped3A : memref<!tpu.dma_semaphore, #tpu.memory_space<semaphore_mem>>) src(%arg12 : memref<128x128xf32, #tpu.memory_space<vmem>>) dst(%dma_wait3A_442 : memref<10112x128xf32, #tpu.memory_space<vmem_shared>>)
        tpu.yield
      }) : () -> ()
      %add3A_424 = arith.constant 3 : i32
      %add3A_425 = arith.addi %add3A_403, %add3A_424 : i32
      %lt3A_426 = arith.constant 32 : i32
      %lt3A_427 = arith.cmpi slt, %add3A_425, %lt3A_426 : i32
      %convert_element_type3A_428 = arith.extui %lt3A_427 : i1 to i32
      %cond3A_429 = arith.constant 0 : i32
      %cond3A_430 = arith.cmpi ne, %convert_element_type3A_428, %cond3A_429 : i32
      scf.if %cond3A_430 {
        %add3A_431 = arith.constant 3 : i32
        %add3A_432 = arith.addi %add3A_403, %add3A_431 : i32
        %dma_start3A_433 = arith.constant 0 : i32
        %dma_start3A_434 = tpu.memref_slice %arg9[%add3A_432, %dma_start3A_433] : memref<32x128xi32, #tpu.memory_space<vmem>> -> memref<1x128xi32, #tpu.memory_space<vmem>>
        %dma_start3A_435 = tpu.memref_squeeze %dma_start3A_434 : memref<1x128xi32, #tpu.memory_space<vmem>> -> memref<128xi32, #tpu.memory_space<vmem>>
        %dma_start3A_436 = arith.constant 0 : i32
        %dma_start3A_437 = arith.constant 0 : i32
        %dma_start3A_438 = tpu.memref_slice %arg2[%dma_start3A_436, %dma_start3A_437] : memref<10000x128xf32, #tpu.memory_space<hbm>> -> memref<10000x128xf32, #tpu.memory_space<hbm>>
        tpu.enqueue_indirect_dma source(%dma_start3A_438 : memref<10000x128xf32, #tpu.memory_space<hbm>>) target(%arg12 : memref<128x128xf32, #tpu.memory_space<vmem>>) offsets(%dma_start3A_435 : memref<128xi32, #tpu.memory_space<vmem>>) semaphore(%arg15 : memref<!tpu.dma_semaphore, #tpu.memory_space<semaphore_mem>>)
      } else {
      }
    }
    %scan3A_241 = arith.constant 16 : i32
    %dma_wait3A_242 = arith.constant 0 : i32
    %dma_wait3A_243 = arith.constant 0 : i32
    %dma_wait3A_244 = arith.constant 0 : i32
    %dma_wait3A_245 = tpu.memref_slice %arg7[%dma_wait3A_243, %dma_wait3A_244] : memref<32x128xi32, #tpu.memory_space<vmem>> -> memref<8x128xi32, #tpu.memory_space<vmem>>
    %dma_wait3A_246 = arith.constant 0 : i32
    %dma_wait3A_247 = arith.constant 0 : i32
    %dma_wait3A_248 = tpu.memref_slice %arg3[%dma_wait3A_242, %dma_wait3A_246, %dma_wait3A_247] : memref<2x2500x128xi32, #tpu.memory_space<hbm>> -> memref<1x2500x128xi32, #tpu.memory_space<hbm>>
    %dma_wait3A_249 = tpu.memref_squeeze %dma_wait3A_248 : memref<1x2500x128xi32, #tpu.memory_space<hbm>> -> memref<2500x128xi32, #tpu.memory_space<hbm>>
    %dma_wait3A_250 = arith.constant 0 : i32
    %dma_wait3A_251 = tpu.memref_slice %dma_wait3A_249[%add3A_12, %dma_wait3A_250] : memref<2500x128xi32, #tpu.memory_space<hbm>> -> memref<8x128xi32, #tpu.memory_space<hbm>>
    %dma_wait3A_252 = arith.constant 0 : i32
    %dma_wait3A_253 = arith.constant 0 : i32
    %dma_wait3A_254 = tpu.memref_slice %arg7[%dma_wait3A_252, %dma_wait3A_253] : memref<32x128xi32, #tpu.memory_space<vmem>> -> memref<8x128xi32, #tpu.memory_space<vmem>>
    %dma_wait3A_255 = arith.constant 0 : i32
    %dma_wait3A_256 = arith.constant 0 : i32
    %dma_wait3A_257 = tpu.memref_slice %arg3[%dma_wait3A_242, %dma_wait3A_255, %dma_wait3A_256] : memref<2x2500x128xi32, #tpu.memory_space<hbm>> -> memref<1x2500x128xi32, #tpu.memory_space<hbm>>
    %dma_wait3A_258 = tpu.memref_squeeze %dma_wait3A_257 : memref<1x2500x128xi32, #tpu.memory_space<hbm>> -> memref<2500x128xi32, #tpu.memory_space<hbm>>
    %dma_wait3A_259 = arith.constant 0 : i32
    %dma_wait3A_260 = tpu.memref_slice %dma_wait3A_258[%add3A_12, %dma_wait3A_259] : memref<2500x128xi32, #tpu.memory_space<hbm>> -> memref<8x128xi32, #tpu.memory_space<hbm>>
    tpu.wait_dma2 semaphore(%arg16 : memref<!tpu.dma_semaphore, #tpu.memory_space<semaphore_mem>>) src(%dma_wait3A_260 : memref<8x128xi32, #tpu.memory_space<hbm>>) dst(%dma_wait3A_254 : memref<8x128xi32, #tpu.memory_space<vmem>>)
    %dma_wait3A_261 = arith.constant 1 : i32
    %dma_wait3A_262 = arith.constant 0 : i32
    %dma_wait3A_263 = arith.constant 0 : i32
    %dma_wait3A_264 = tpu.memref_slice %arg8[%dma_wait3A_262, %dma_wait3A_263] : memref<32x128xi32, #tpu.memory_space<vmem>> -> memref<8x128xi32, #tpu.memory_space<vmem>>
    %dma_wait3A_265 = arith.constant 0 : i32
    %dma_wait3A_266 = arith.constant 0 : i32
    %dma_wait3A_267 = tpu.memref_slice %arg3[%dma_wait3A_261, %dma_wait3A_265, %dma_wait3A_266] : memref<2x2500x128xi32, #tpu.memory_space<hbm>> -> memref<1x2500x128xi32, #tpu.memory_space<hbm>>
    %dma_wait3A_268 = tpu.memref_squeeze %dma_wait3A_267 : memref<1x2500x128xi32, #tpu.memory_space<hbm>> -> memref<2500x128xi32, #tpu.memory_space<hbm>>
    %dma_wait3A_269 = arith.constant 0 : i32
    %dma_wait3A_270 = tpu.memref_slice %dma_wait3A_268[%add3A_12, %dma_wait3A_269] : memref<2500x128xi32, #tpu.memory_space<hbm>> -> memref<8x128xi32, #tpu.memory_space<hbm>>
    %dma_wait3A_271 = arith.constant 0 : i32
    %dma_wait3A_272 = arith.constant 0 : i32
    %dma_wait3A_273 = tpu.memref_slice %arg8[%dma_wait3A_271, %dma_wait3A_272] : memref<32x128xi32, #tpu.memory_space<vmem>> -> memref<8x128xi32, #tpu.memory_space<vmem>>
    %dma_wait3A_274 = arith.constant 0 : i32
    %dma_wait3A_275 = arith.constant 0 : i32
    %dma_wait3A_276 = tpu.memref_slice %arg3[%dma_wait3A_261, %dma_wait3A_274, %dma_wait3A_275] : memref<2x2500x128xi32, #tpu.memory_space<hbm>> -> memref<1x2500x128xi32, #tpu.memory_space<hbm>>
    %dma_wait3A_277 = tpu.memref_squeeze %dma_wait3A_276 : memref<1x2500x128xi32, #tpu.memory_space<hbm>> -> memref<2500x128xi32, #tpu.memory_space<hbm>>
    %dma_wait3A_278 = arith.constant 0 : i32
    %dma_wait3A_279 = tpu.memref_slice %dma_wait3A_277[%add3A_12, %dma_wait3A_278] : memref<2500x128xi32, #tpu.memory_space<hbm>> -> memref<8x128xi32, #tpu.memory_space<hbm>>
    tpu.wait_dma2 semaphore(%arg16 : memref<!tpu.dma_semaphore, #tpu.memory_space<semaphore_mem>>) src(%dma_wait3A_279 : memref<8x128xi32, #tpu.memory_space<hbm>>) dst(%dma_wait3A_273 : memref<8x128xi32, #tpu.memory_space<vmem>>)
    %dma_start3A_280 = arith.constant 0 : i32
    %dma_start3A_281 = arith.constant 0 : i32
    %dma_start3A_282 = tpu.memref_slice %arg7[%dma_start3A_280, %dma_start3A_281] : memref<32x128xi32, #tpu.memory_space<vmem>> -> memref<1x128xi32, #tpu.memory_space<vmem>>
    %dma_start3A_283 = tpu.memref_squeeze %dma_start3A_282 : memref<1x128xi32, #tpu.memory_space<vmem>> -> memref<128xi32, #tpu.memory_space<vmem>>
    %dma_start3A_284 = arith.constant 0 : i32
    %dma_start3A_285 = arith.constant 0 : i32
    %dma_start3A_286 = tpu.memref_slice %arg2[%dma_start3A_284, %dma_start3A_285] : memref<10000x128xf32, #tpu.memory_space<hbm>> -> memref<10000x128xf32, #tpu.memory_space<hbm>>
    tpu.enqueue_indirect_dma source(%dma_start3A_286 : memref<10000x128xf32, #tpu.memory_space<hbm>>) target(%arg11 : memref<128x128xf32, #tpu.memory_space<vmem>>) offsets(%dma_start3A_283 : memref<128xi32, #tpu.memory_space<vmem>>) semaphore(%arg14 : memref<!tpu.dma_semaphore, #tpu.memory_space<semaphore_mem>>)
    %dma_start3A_287 = arith.constant 1 : i32
    %dma_start3A_288 = arith.constant 0 : i32
    %dma_start3A_289 = tpu.memref_slice %arg7[%dma_start3A_287, %dma_start3A_288] : memref<32x128xi32, #tpu.memory_space<vmem>> -> memref<1x128xi32, #tpu.memory_space<vmem>>
    %dma_start3A_290 = tpu.memref_squeeze %dma_start3A_289 : memref<1x128xi32, #tpu.memory_space<vmem>> -> memref<128xi32, #tpu.memory_space<vmem>>
    %dma_start3A_291 = arith.constant 0 : i32
    %dma_start3A_292 = arith.constant 0 : i32
    %dma_start3A_293 = tpu.memref_slice %arg2[%dma_start3A_291, %dma_start3A_292] : memref<10000x128xf32, #tpu.memory_space<hbm>> -> memref<10000x128xf32, #tpu.memory_space<hbm>>
    tpu.enqueue_indirect_dma source(%dma_start3A_293 : memref<10000x128xf32, #tpu.memory_space<hbm>>) target(%arg12 : memref<128x128xf32, #tpu.memory_space<vmem>>) offsets(%dma_start3A_290 : memref<128xi32, #tpu.memory_space<vmem>>) semaphore(%arg15 : memref<!tpu.dma_semaphore, #tpu.memory_space<semaphore_mem>>)
    %dma_start3A_294 = arith.constant 0 : i32
    %dma_start3A_295 = arith.constant 0 : i32
    %dma_start3A_296 = arith.constant 0 : i32
    %dma_start3A_297 = tpu.memref_slice %arg9[%dma_start3A_295, %dma_start3A_296] : memref<32x128xi32, #tpu.memory_space<vmem>> -> memref<8x128xi32, #tpu.memory_space<vmem>>
    %dma_start3A_298 = arith.constant 0 : i32
    %dma_start3A_299 = arith.constant 0 : i32
    %dma_start3A_300 = tpu.memref_slice %arg4[%dma_start3A_294, %dma_start3A_298, %dma_start3A_299] : memref<2x256x128xi32, #tpu.memory_space<hbm>> -> memref<1x256x128xi32, #tpu.memory_space<hbm>>
    %dma_start3A_301 = tpu.memref_squeeze %dma_start3A_300 : memref<1x256x128xi32, #tpu.memory_space<hbm>> -> memref<256x128xi32, #tpu.memory_space<hbm>>
    %dma_start3A_302 = arith.constant 0 : i32
    %dma_start3A_303 = tpu.memref_slice %dma_start3A_301[%mul3A_14, %dma_start3A_302] : memref<256x128xi32, #tpu.memory_space<hbm>> -> memref<8x128xi32, #tpu.memory_space<hbm>>
    %dma_start3A_304 = arith.constant 0 : i32
    %dma_start3A_305 = arith.constant 0 : i32
    %dma_start3A_306 = tpu.memref_slice %arg9[%dma_start3A_304, %dma_start3A_305] : memref<32x128xi32, #tpu.memory_space<vmem>> -> memref<8x128xi32, #tpu.memory_space<vmem>>
    %dma_start3A_307 = arith.constant 0 : i32
    %dma_start3A_308 = arith.constant 0 : i32
    %dma_start3A_309 = tpu.memref_slice %arg4[%dma_start3A_294, %dma_start3A_307, %dma_start3A_308] : memref<2x256x128xi32, #tpu.memory_space<hbm>> -> memref<1x256x128xi32, #tpu.memory_space<hbm>>
    %dma_start3A_310 = tpu.memref_squeeze %dma_start3A_309 : memref<1x256x128xi32, #tpu.memory_space<hbm>> -> memref<256x128xi32, #tpu.memory_space<hbm>>
    %dma_start3A_311 = arith.constant 0 : i32
    %dma_start3A_312 = tpu.memref_slice %dma_start3A_310[%mul3A_14, %dma_start3A_311] : memref<256x128xi32, #tpu.memory_space<hbm>> -> memref<8x128xi32, #tpu.memory_space<hbm>>
    tpu.enqueue_dma source(%dma_start3A_312 : memref<8x128xi32, #tpu.memory_space<hbm>>) target(%dma_start3A_306 : memref<8x128xi32, #tpu.memory_space<vmem>>) target_semaphore(%arg17 : memref<!tpu.dma_semaphore, #tpu.memory_space<semaphore_mem>>)
    %dma_start3A_313 = arith.constant 1 : i32
    %dma_start3A_314 = arith.constant 0 : i32
    %dma_start3A_315 = arith.constant 0 : i32
    %dma_start3A_316 = tpu.memref_slice %arg10[%dma_start3A_314, %dma_start3A_315] : memref<32x128xi32, #tpu.memory_space<vmem>> -> memref<8x128xi32, #tpu.memory_space<vmem>>
    %dma_start3A_317 = arith.constant 0 : i32
    %dma_start3A_318 = arith.constant 0 : i32
    %dma_start3A_319 = tpu.memref_slice %arg4[%dma_start3A_313, %dma_start3A_317, %dma_start3A_318] : memref<2x256x128xi32, #tpu.memory_space<hbm>> -> memref<1x256x128xi32, #tpu.memory_space<hbm>>
    %dma_start3A_320 = tpu.memref_squeeze %dma_start3A_319 : memref<1x256x128xi32, #tpu.memory_space<hbm>> -> memref<256x128xi32, #tpu.memory_space<hbm>>
    %dma_start3A_321 = arith.constant 0 : i32
    %dma_start3A_322 = tpu.memref_slice %dma_start3A_320[%mul3A_14, %dma_start3A_321] : memref<256x128xi32, #tpu.memory_space<hbm>> -> memref<8x128xi32, #tpu.memory_space<hbm>>
    %dma_start3A_323 = arith.constant 0 : i32
    %dma_start3A_324 = arith.constant 0 : i32
    %dma_start3A_325 = tpu.memref_slice %arg10[%dma_start3A_323, %dma_start3A_324] : memref<32x128xi32, #tpu.memory_space<vmem>> -> memref<8x128xi32, #tpu.memory_space<vmem>>
    %dma_start3A_326 = arith.constant 0 : i32
    %dma_start3A_327 = arith.constant 0 : i32
    %dma_start3A_328 = tpu.memref_slice %arg4[%dma_start3A_313, %dma_start3A_326, %dma_start3A_327] : memref<2x256x128xi32, #tpu.memory_space<hbm>> -> memref<1x256x128xi32, #tpu.memory_space<hbm>>
    %dma_start3A_329 = tpu.memref_squeeze %dma_start3A_328 : memref<1x256x128xi32, #tpu.memory_space<hbm>> -> memref<256x128xi32, #tpu.memory_space<hbm>>
    %dma_start3A_330 = arith.constant 0 : i32
    %dma_start3A_331 = tpu.memref_slice %dma_start3A_329[%mul3A_14, %dma_start3A_330] : memref<256x128xi32, #tpu.memory_space<hbm>> -> memref<8x128xi32, #tpu.memory_space<hbm>>
    tpu.enqueue_dma source(%dma_start3A_331 : memref<8x128xi32, #tpu.memory_space<hbm>>) target(%dma_start3A_325 : memref<8x128xi32, #tpu.memory_space<vmem>>) target_semaphore(%arg17 : memref<!tpu.dma_semaphore, #tpu.memory_space<semaphore_mem>>)
    %scan3A_332 = arith.constant 0 : i32
    %scan3A_333 = arith.constant 4 : i32
    %scan3A_334 = arith.addi %scan3A_332, %scan3A_333 : i32
    %scan3A_335 = arith.constant 1 : i32
    scf.for %scan3A_399 = %scan3A_332 to %scan3A_334 step %scan3A_335  : i32 {
      %mul3A_400 = arith.constant 2 : i32
      %mul3A_401 = arith.muli %scan3A_399, %mul3A_400 : i32
      %add3A_402 = arith.constant 0 : i32
      %add3A_403 = arith.addi %add3A_402, %mul3A_401 : i32
      %dma_wait3A_404 = arith.constant 0 : i32
      %dma_wait3A_405 = tpu.memref_slice %arg7[%add3A_403, %dma_wait3A_404] : memref<32x128xi32, #tpu.memory_space<vmem>> -> memref<1x128xi32, #tpu.memory_space<vmem>>
      %dma_wait3A_406 = tpu.memref_squeeze %dma_wait3A_405 : memref<1x128xi32, #tpu.memory_space<vmem>> -> memref<128xi32, #tpu.memory_space<vmem>>
      %dma_wait3A_407 = arith.constant 0 : i32
      %dma_wait3A_408 = arith.constant 0 : i32
      %dma_wait3A_409 = tpu.memref_slice %arg2[%dma_wait3A_407, %dma_wait3A_408] : memref<10000x128xf32, #tpu.memory_space<hbm>> -> memref<10000x128xf32, #tpu.memory_space<hbm>>
      tpu.wait_indirect_dma semaphore(%arg14 : memref<!tpu.dma_semaphore, #tpu.memory_space<semaphore_mem>>) src(%dma_wait3A_409 : memref<10000x128xf32, #tpu.memory_space<hbm>>) dst(%arg11 : memref<128x128xf32, #tpu.memory_space<vmem>>)
      "tpu.region"() ({
        %run_scoped3A = tpu.sem_alloc : memref<!tpu.dma_semaphore, #tpu.memory_space<semaphore_mem>>
        %dma_start3A_431 = arith.constant 0 : i32
        %dma_start3A_432 = tpu.memref_slice %arg8[%add3A_403, %dma_start3A_431] : memref<32x128xi32, #tpu.memory_space<vmem>> -> memref<1x128xi32, #tpu.memory_space<vmem>>
        %dma_start3A_433 = tpu.memref_squeeze %dma_start3A_432 : memref<1x128xi32, #tpu.memory_space<vmem>> -> memref<128xi32, #tpu.memory_space<vmem>>
        %dma_start3A_434 = arith.constant 0 : i32
        %dma_start3A_435 = arith.constant 0 : i32
        %dma_start3A_436 = tpu.memref_slice %arg13[%dma_start3A_434, %dma_start3A_435] : memref<10112x128xf32, #tpu.memory_space<vmem_shared>> -> memref<10112x128xf32, #tpu.memory_space<vmem_shared>>
        tpu.enqueue_indirect_dma source(%arg11 : memref<128x128xf32, #tpu.memory_space<vmem>>) target(%dma_start3A_436 : memref<10112x128xf32, #tpu.memory_space<vmem_shared>>) offsets(%dma_start3A_433 : memref<128xi32, #tpu.memory_space<vmem>>) semaphore(%run_scoped3A : memref<!tpu.dma_semaphore, #tpu.memory_space<semaphore_mem>>) {add = true}
        %dma_wait3A_437 = arith.constant 0 : i32
        %dma_wait3A_438 = tpu.memref_slice %arg8[%add3A_403, %dma_wait3A_437] : memref<32x128xi32, #tpu.memory_space<vmem>> -> memref<1x128xi32, #tpu.memory_space<vmem>>
        %dma_wait3A_439 = tpu.memref_squeeze %dma_wait3A_438 : memref<1x128xi32, #tpu.memory_space<vmem>> -> memref<128xi32, #tpu.memory_space<vmem>>
        %dma_wait3A_440 = arith.constant 0 : i32
        %dma_wait3A_441 = arith.constant 0 : i32
        %dma_wait3A_442 = tpu.memref_slice %arg13[%dma_wait3A_440, %dma_wait3A_441] : memref<10112x128xf32, #tpu.memory_space<vmem_shared>> -> memref<10112x128xf32, #tpu.memory_space<vmem_shared>>
        tpu.wait_indirect_dma semaphore(%run_scoped3A : memref<!tpu.dma_semaphore, #tpu.memory_space<semaphore_mem>>) src(%arg11 : memref<128x128xf32, #tpu.memory_space<vmem>>) dst(%dma_wait3A_442 : memref<10112x128xf32, #tpu.memory_space<vmem_shared>>)
        tpu.yield
      }) : () -> ()
      %add3A_410 = arith.constant 2 : i32
      %add3A_411 = arith.addi %add3A_403, %add3A_410 : i32
      %lt3A = arith.constant 8 : i32
      %lt3A_412 = arith.cmpi slt, %add3A_411, %lt3A : i32
      %convert_element_type3A = arith.extui %lt3A_412 : i1 to i32
      %cond3A = arith.constant 0 : i32
      %cond3A_413 = arith.cmpi ne, %convert_element_type3A, %cond3A : i32
      scf.if %cond3A_413 {
        %add3A_431 = arith.constant 2 : i32
        %add3A_432 = arith.addi %add3A_403, %add3A_431 : i32
        %dma_start3A_433 = arith.constant 0 : i32
        %dma_start3A_434 = tpu.memref_slice %arg7[%add3A_432, %dma_start3A_433] : memref<32x128xi32, #tpu.memory_space<vmem>> -> memref<1x128xi32, #tpu.memory_space<vmem>>
        %dma_start3A_435 = tpu.memref_squeeze %dma_start3A_434 : memref<1x128xi32, #tpu.memory_space<vmem>> -> memref<128xi32, #tpu.memory_space<vmem>>
        %dma_start3A_436 = arith.constant 0 : i32
        %dma_start3A_437 = arith.constant 0 : i32
        %dma_start3A_438 = tpu.memref_slice %arg2[%dma_start3A_436, %dma_start3A_437] : memref<10000x128xf32, #tpu.memory_space<hbm>> -> memref<10000x128xf32, #tpu.memory_space<hbm>>
        tpu.enqueue_indirect_dma source(%dma_start3A_438 : memref<10000x128xf32, #tpu.memory_space<hbm>>) target(%arg11 : memref<128x128xf32, #tpu.memory_space<vmem>>) offsets(%dma_start3A_435 : memref<128xi32, #tpu.memory_space<vmem>>) semaphore(%arg14 : memref<!tpu.dma_semaphore, #tpu.memory_space<semaphore_mem>>)
      } else {
      }
      %add3A_414 = arith.constant 1 : i32
      %add3A_415 = arith.addi %add3A_403, %add3A_414 : i32
      %dma_wait3A_416 = arith.constant 0 : i32
      %dma_wait3A_417 = tpu.memref_slice %arg7[%add3A_415, %dma_wait3A_416] : memref<32x128xi32, #tpu.memory_space<vmem>> -> memref<1x128xi32, #tpu.memory_space<vmem>>
      %dma_wait3A_418 = tpu.memref_squeeze %dma_wait3A_417 : memref<1x128xi32, #tpu.memory_space<vmem>> -> memref<128xi32, #tpu.memory_space<vmem>>
      %dma_wait3A_419 = arith.constant 0 : i32
      %dma_wait3A_420 = arith.constant 0 : i32
      %dma_wait3A_421 = tpu.memref_slice %arg2[%dma_wait3A_419, %dma_wait3A_420] : memref<10000x128xf32, #tpu.memory_space<hbm>> -> memref<10000x128xf32, #tpu.memory_space<hbm>>
      tpu.wait_indirect_dma semaphore(%arg15 : memref<!tpu.dma_semaphore, #tpu.memory_space<semaphore_mem>>) src(%dma_wait3A_421 : memref<10000x128xf32, #tpu.memory_space<hbm>>) dst(%arg12 : memref<128x128xf32, #tpu.memory_space<vmem>>)
      %add3A_422 = arith.constant 1 : i32
      %add3A_423 = arith.addi %add3A_403, %add3A_422 : i32
      "tpu.region"() ({
        %run_scoped3A = tpu.sem_alloc : memref<!tpu.dma_semaphore, #tpu.memory_space<semaphore_mem>>
        %dma_start3A_431 = arith.constant 0 : i32
        %dma_start3A_432 = tpu.memref_slice %arg8[%add3A_423, %dma_start3A_431] : memref<32x128xi32, #tpu.memory_space<vmem>> -> memref<1x128xi32, #tpu.memory_space<vmem>>
        %dma_start3A_433 = tpu.memref_squeeze %dma_start3A_432 : memref<1x128xi32, #tpu.memory_space<vmem>> -> memref<128xi32, #tpu.memory_space<vmem>>
        %dma_start3A_434 = arith.constant 0 : i32
        %dma_start3A_435 = arith.constant 0 : i32
        %dma_start3A_436 = tpu.memref_slice %arg13[%dma_start3A_434, %dma_start3A_435] : memref<10112x128xf32, #tpu.memory_space<vmem_shared>> -> memref<10112x128xf32, #tpu.memory_space<vmem_shared>>
        tpu.enqueue_indirect_dma source(%arg12 : memref<128x128xf32, #tpu.memory_space<vmem>>) target(%dma_start3A_436 : memref<10112x128xf32, #tpu.memory_space<vmem_shared>>) offsets(%dma_start3A_433 : memref<128xi32, #tpu.memory_space<vmem>>) semaphore(%run_scoped3A : memref<!tpu.dma_semaphore, #tpu.memory_space<semaphore_mem>>) {add = true}
        %dma_wait3A_437 = arith.constant 0 : i32
        %dma_wait3A_438 = tpu.memref_slice %arg8[%add3A_423, %dma_wait3A_437] : memref<32x128xi32, #tpu.memory_space<vmem>> -> memref<1x128xi32, #tpu.memory_space<vmem>>
        %dma_wait3A_439 = tpu.memref_squeeze %dma_wait3A_438 : memref<1x128xi32, #tpu.memory_space<vmem>> -> memref<128xi32, #tpu.memory_space<vmem>>
        %dma_wait3A_440 = arith.constant 0 : i32
        %dma_wait3A_441 = arith.constant 0 : i32
        %dma_wait3A_442 = tpu.memref_slice %arg13[%dma_wait3A_440, %dma_wait3A_441] : memref<10112x128xf32, #tpu.memory_space<vmem_shared>> -> memref<10112x128xf32, #tpu.memory_space<vmem_shared>>
        tpu.wait_indirect_dma semaphore(%run_scoped3A : memref<!tpu.dma_semaphore, #tpu.memory_space<semaphore_mem>>) src(%arg12 : memref<128x128xf32, #tpu.memory_space<vmem>>) dst(%dma_wait3A_442 : memref<10112x128xf32, #tpu.memory_space<vmem_shared>>)
        tpu.yield
      }) : () -> ()
      %add3A_424 = arith.constant 3 : i32
      %add3A_425 = arith.addi %add3A_403, %add3A_424 : i32
      %lt3A_426 = arith.constant 8 : i32
      %lt3A_427 = arith.cmpi slt, %add3A_425, %lt3A_426 : i32
      %convert_element_type3A_428 = arith.extui %lt3A_427 : i1 to i32
      %cond3A_429 = arith.constant 0 : i32
      %cond3A_430 = arith.cmpi ne, %convert_element_type3A_428, %cond3A_429 : i32
      scf.if %cond3A_430 {
        %add3A_431 = arith.constant 3 : i32
        %add3A_432 = arith.addi %add3A_403, %add3A_431 : i32
        %dma_start3A_433 = arith.constant 0 : i32
        %dma_start3A_434 = tpu.memref_slice %arg7[%add3A_432, %dma_start3A_433] : memref<32x128xi32, #tpu.memory_space<vmem>> -> memref<1x128xi32, #tpu.memory_space<vmem>>
        %dma_start3A_435 = tpu.memref_squeeze %dma_start3A_434 : memref<1x128xi32, #tpu.memory_space<vmem>> -> memref<128xi32, #tpu.memory_space<vmem>>
        %dma_start3A_436 = arith.constant 0 : i32
        %dma_start3A_437 = arith.constant 0 : i32
        %dma_start3A_438 = tpu.memref_slice %arg2[%dma_start3A_436, %dma_start3A_437] : memref<10000x128xf32, #tpu.memory_space<hbm>> -> memref<10000x128xf32, #tpu.memory_space<hbm>>
        tpu.enqueue_indirect_dma source(%dma_start3A_438 : memref<10000x128xf32, #tpu.memory_space<hbm>>) target(%arg12 : memref<128x128xf32, #tpu.memory_space<vmem>>) offsets(%dma_start3A_435 : memref<128xi32, #tpu.memory_space<vmem>>) semaphore(%arg15 : memref<!tpu.dma_semaphore, #tpu.memory_space<semaphore_mem>>)
      } else {
      }
    }
    %scan3A_336 = arith.constant 4 : i32
    %dma_wait3A_337 = arith.constant 0 : i32
    %dma_wait3A_338 = arith.constant 0 : i32
    %dma_wait3A_339 = arith.constant 0 : i32
    %dma_wait3A_340 = tpu.memref_slice %arg9[%dma_wait3A_338, %dma_wait3A_339] : memref<32x128xi32, #tpu.memory_space<vmem>> -> memref<8x128xi32, #tpu.memory_space<vmem>>
    %dma_wait3A_341 = arith.constant 0 : i32
    %dma_wait3A_342 = arith.constant 0 : i32
    %dma_wait3A_343 = tpu.memref_slice %arg4[%dma_wait3A_337, %dma_wait3A_341, %dma_wait3A_342] : memref<2x256x128xi32, #tpu.memory_space<hbm>> -> memref<1x256x128xi32, #tpu.memory_space<hbm>>
    %dma_wait3A_344 = tpu.memref_squeeze %dma_wait3A_343 : memref<1x256x128xi32, #tpu.memory_space<hbm>> -> memref<256x128xi32, #tpu.memory_space<hbm>>
    %dma_wait3A_345 = arith.constant 0 : i32
    %dma_wait3A_346 = tpu.memref_slice %dma_wait3A_344[%mul3A_14, %dma_wait3A_345] : memref<256x128xi32, #tpu.memory_space<hbm>> -> memref<8x128xi32, #tpu.memory_space<hbm>>
    %dma_wait3A_347 = arith.constant 0 : i32
    %dma_wait3A_348 = arith.constant 0 : i32
    %dma_wait3A_349 = tpu.memref_slice %arg9[%dma_wait3A_347, %dma_wait3A_348] : memref<32x128xi32, #tpu.memory_space<vmem>> -> memref<8x128xi32, #tpu.memory_space<vmem>>
    %dma_wait3A_350 = arith.constant 0 : i32
    %dma_wait3A_351 = arith.constant 0 : i32
    %dma_wait3A_352 = tpu.memref_slice %arg4[%dma_wait3A_337, %dma_wait3A_350, %dma_wait3A_351] : memref<2x256x128xi32, #tpu.memory_space<hbm>> -> memref<1x256x128xi32, #tpu.memory_space<hbm>>
    %dma_wait3A_353 = tpu.memref_squeeze %dma_wait3A_352 : memref<1x256x128xi32, #tpu.memory_space<hbm>> -> memref<256x128xi32, #tpu.memory_space<hbm>>
    %dma_wait3A_354 = arith.constant 0 : i32
    %dma_wait3A_355 = tpu.memref_slice %dma_wait3A_353[%mul3A_14, %dma_wait3A_354] : memref<256x128xi32, #tpu.memory_space<hbm>> -> memref<8x128xi32, #tpu.memory_space<hbm>>
    tpu.wait_dma2 semaphore(%arg17 : memref<!tpu.dma_semaphore, #tpu.memory_space<semaphore_mem>>) src(%dma_wait3A_355 : memref<8x128xi32, #tpu.memory_space<hbm>>) dst(%dma_wait3A_349 : memref<8x128xi32, #tpu.memory_space<vmem>>)
    %dma_wait3A_356 = arith.constant 1 : i32
    %dma_wait3A_357 = arith.constant 0 : i32
    %dma_wait3A_358 = arith.constant 0 : i32
    %dma_wait3A_359 = tpu.memref_slice %arg10[%dma_wait3A_357, %dma_wait3A_358] : memref<32x128xi32, #tpu.memory_space<vmem>> -> memref<8x128xi32, #tpu.memory_space<vmem>>
    %dma_wait3A_360 = arith.constant 0 : i32
    %dma_wait3A_361 = arith.constant 0 : i32
    %dma_wait3A_362 = tpu.memref_slice %arg4[%dma_wait3A_356, %dma_wait3A_360, %dma_wait3A_361] : memref<2x256x128xi32, #tpu.memory_space<hbm>> -> memref<1x256x128xi32, #tpu.memory_space<hbm>>
    %dma_wait3A_363 = tpu.memref_squeeze %dma_wait3A_362 : memref<1x256x128xi32, #tpu.memory_space<hbm>> -> memref<256x128xi32, #tpu.memory_space<hbm>>
    %dma_wait3A_364 = arith.constant 0 : i32
    %dma_wait3A_365 = tpu.memref_slice %dma_wait3A_363[%mul3A_14, %dma_wait3A_364] : memref<256x128xi32, #tpu.memory_space<hbm>> -> memref<8x128xi32, #tpu.memory_space<hbm>>
    %dma_wait3A_366 = arith.constant 0 : i32
    %dma_wait3A_367 = arith.constant 0 : i32
    %dma_wait3A_368 = tpu.memref_slice %arg10[%dma_wait3A_366, %dma_wait3A_367] : memref<32x128xi32, #tpu.memory_space<vmem>> -> memref<8x128xi32, #tpu.memory_space<vmem>>
    %dma_wait3A_369 = arith.constant 0 : i32
    %dma_wait3A_370 = arith.constant 0 : i32
    %dma_wait3A_371 = tpu.memref_slice %arg4[%dma_wait3A_356, %dma_wait3A_369, %dma_wait3A_370] : memref<2x256x128xi32, #tpu.memory_space<hbm>> -> memref<1x256x128xi32, #tpu.memory_space<hbm>>
    %dma_wait3A_372 = tpu.memref_squeeze %dma_wait3A_371 : memref<1x256x128xi32, #tpu.memory_space<hbm>> -> memref<256x128xi32, #tpu.memory_space<hbm>>
    %dma_wait3A_373 = arith.constant 0 : i32
    %dma_wait3A_374 = tpu.memref_slice %dma_wait3A_372[%mul3A_14, %dma_wait3A_373] : memref<256x128xi32, #tpu.memory_space<hbm>> -> memref<8x128xi32, #tpu.memory_space<hbm>>
    tpu.wait_dma2 semaphore(%arg17 : memref<!tpu.dma_semaphore, #tpu.memory_space<semaphore_mem>>) src(%dma_wait3A_374 : memref<8x128xi32, #tpu.memory_space<hbm>>) dst(%dma_wait3A_368 : memref<8x128xi32, #tpu.memory_space<vmem>>)
    %dma_start3A_375 = arith.constant 0 : i32
    %dma_start3A_376 = arith.constant 0 : i32
    %dma_start3A_377 = tpu.memref_slice %arg9[%dma_start3A_375, %dma_start3A_376] : memref<32x128xi32, #tpu.memory_space<vmem>> -> memref<1x128xi32, #tpu.memory_space<vmem>>
    %dma_start3A_378 = tpu.memref_squeeze %dma_start3A_377 : memref<1x128xi32, #tpu.memory_space<vmem>> -> memref<128xi32, #tpu.memory_space<vmem>>
    %dma_start3A_379 = arith.constant 0 : i32
    %dma_start3A_380 = arith.constant 0 : i32
    %dma_start3A_381 = tpu.memref_slice %arg2[%dma_start3A_379, %dma_start3A_380] : memref<10000x128xf32, #tpu.memory_space<hbm>> -> memref<10000x128xf32, #tpu.memory_space<hbm>>
    tpu.enqueue_indirect_dma source(%dma_start3A_381 : memref<10000x128xf32, #tpu.memory_space<hbm>>) target(%arg11 : memref<128x128xf32, #tpu.memory_space<vmem>>) offsets(%dma_start3A_378 : memref<128xi32, #tpu.memory_space<vmem>>) semaphore(%arg14 : memref<!tpu.dma_semaphore, #tpu.memory_space<semaphore_mem>>)
    %dma_start3A_382 = arith.constant 1 : i32
    %dma_start3A_383 = arith.constant 0 : i32
    %dma_start3A_384 = tpu.memref_slice %arg9[%dma_start3A_382, %dma_start3A_383] : memref<32x128xi32, #tpu.memory_space<vmem>> -> memref<1x128xi32, #tpu.memory_space<vmem>>
    %dma_start3A_385 = tpu.memref_squeeze %dma_start3A_384 : memref<1x128xi32, #tpu.memory_space<vmem>> -> memref<128xi32, #tpu.memory_space<vmem>>
    %dma_start3A_386 = arith.constant 0 : i32
    %dma_start3A_387 = arith.constant 0 : i32
    %dma_start3A_388 = tpu.memref_slice %arg2[%dma_start3A_386, %dma_start3A_387] : memref<10000x128xf32, #tpu.memory_space<hbm>> -> memref<10000x128xf32, #tpu.memory_space<hbm>>
    tpu.enqueue_indirect_dma source(%dma_start3A_388 : memref<10000x128xf32, #tpu.memory_space<hbm>>) target(%arg12 : memref<128x128xf32, #tpu.memory_space<vmem>>) offsets(%dma_start3A_385 : memref<128xi32, #tpu.memory_space<vmem>>) semaphore(%arg15 : memref<!tpu.dma_semaphore, #tpu.memory_space<semaphore_mem>>)
    %scan3A_389 = arith.constant 0 : i32
    %scan3A_390 = arith.constant 4 : i32
    %scan3A_391 = arith.addi %scan3A_389, %scan3A_390 : i32
    %scan3A_392 = arith.constant 1 : i32
    scf.for %scan3A_399 = %scan3A_389 to %scan3A_391 step %scan3A_392  : i32 {
      %mul3A_400 = arith.constant 2 : i32
      %mul3A_401 = arith.muli %scan3A_399, %mul3A_400 : i32
      %add3A_402 = arith.constant 0 : i32
      %add3A_403 = arith.addi %add3A_402, %mul3A_401 : i32
      %dma_wait3A_404 = arith.constant 0 : i32
      %dma_wait3A_405 = tpu.memref_slice %arg9[%add3A_403, %dma_wait3A_404] : memref<32x128xi32, #tpu.memory_space<vmem>> -> memref<1x128xi32, #tpu.memory_space<vmem>>
      %dma_wait3A_406 = tpu.memref_squeeze %dma_wait3A_405 : memref<1x128xi32, #tpu.memory_space<vmem>> -> memref<128xi32, #tpu.memory_space<vmem>>
      %dma_wait3A_407 = arith.constant 0 : i32
      %dma_wait3A_408 = arith.constant 0 : i32
      %dma_wait3A_409 = tpu.memref_slice %arg2[%dma_wait3A_407, %dma_wait3A_408] : memref<10000x128xf32, #tpu.memory_space<hbm>> -> memref<10000x128xf32, #tpu.memory_space<hbm>>
      tpu.wait_indirect_dma semaphore(%arg14 : memref<!tpu.dma_semaphore, #tpu.memory_space<semaphore_mem>>) src(%dma_wait3A_409 : memref<10000x128xf32, #tpu.memory_space<hbm>>) dst(%arg11 : memref<128x128xf32, #tpu.memory_space<vmem>>)
      "tpu.region"() ({
        %run_scoped3A = tpu.sem_alloc : memref<!tpu.dma_semaphore, #tpu.memory_space<semaphore_mem>>
        %dma_start3A_431 = arith.constant 0 : i32
        %dma_start3A_432 = tpu.memref_slice %arg10[%add3A_403, %dma_start3A_431] : memref<32x128xi32, #tpu.memory_space<vmem>> -> memref<1x128xi32, #tpu.memory_space<vmem>>
        %dma_start3A_433 = tpu.memref_squeeze %dma_start3A_432 : memref<1x128xi32, #tpu.memory_space<vmem>> -> memref<128xi32, #tpu.memory_space<vmem>>
        %dma_start3A_434 = arith.constant 0 : i32
        %dma_start3A_435 = arith.constant 0 : i32
        %dma_start3A_436 = tpu.memref_slice %arg13[%dma_start3A_434, %dma_start3A_435] : memref<10112x128xf32, #tpu.memory_space<vmem_shared>> -> memref<10112x128xf32, #tpu.memory_space<vmem_shared>>
        tpu.enqueue_indirect_dma source(%arg11 : memref<128x128xf32, #tpu.memory_space<vmem>>) target(%dma_start3A_436 : memref<10112x128xf32, #tpu.memory_space<vmem_shared>>) offsets(%dma_start3A_433 : memref<128xi32, #tpu.memory_space<vmem>>) semaphore(%run_scoped3A : memref<!tpu.dma_semaphore, #tpu.memory_space<semaphore_mem>>) {add = true}
        %dma_wait3A_437 = arith.constant 0 : i32
        %dma_wait3A_438 = tpu.memref_slice %arg10[%add3A_403, %dma_wait3A_437] : memref<32x128xi32, #tpu.memory_space<vmem>> -> memref<1x128xi32, #tpu.memory_space<vmem>>
        %dma_wait3A_439 = tpu.memref_squeeze %dma_wait3A_438 : memref<1x128xi32, #tpu.memory_space<vmem>> -> memref<128xi32, #tpu.memory_space<vmem>>
        %dma_wait3A_440 = arith.constant 0 : i32
        %dma_wait3A_441 = arith.constant 0 : i32
        %dma_wait3A_442 = tpu.memref_slice %arg13[%dma_wait3A_440, %dma_wait3A_441] : memref<10112x128xf32, #tpu.memory_space<vmem_shared>> -> memref<10112x128xf32, #tpu.memory_space<vmem_shared>>
        tpu.wait_indirect_dma semaphore(%run_scoped3A : memref<!tpu.dma_semaphore, #tpu.memory_space<semaphore_mem>>) src(%arg11 : memref<128x128xf32, #tpu.memory_space<vmem>>) dst(%dma_wait3A_442 : memref<10112x128xf32, #tpu.memory_space<vmem_shared>>)
        tpu.yield
      }) : () -> ()
      %add3A_410 = arith.constant 2 : i32
      %add3A_411 = arith.addi %add3A_403, %add3A_410 : i32
      %lt3A = arith.constant 8 : i32
      %lt3A_412 = arith.cmpi slt, %add3A_411, %lt3A : i32
      %convert_element_type3A = arith.extui %lt3A_412 : i1 to i32
      %cond3A = arith.constant 0 : i32
      %cond3A_413 = arith.cmpi ne, %convert_element_type3A, %cond3A : i32
      scf.if %cond3A_413 {
        %add3A_431 = arith.constant 2 : i32
        %add3A_432 = arith.addi %add3A_403, %add3A_431 : i32
        %dma_start3A_433 = arith.constant 0 : i32
        %dma_start3A_434 = tpu.memref_slice %arg9[%add3A_432, %dma_start3A_433] : memref<32x128xi32, #tpu.memory_space<vmem>> -> memref<1x128xi32, #tpu.memory_space<vmem>>
        %dma_start3A_435 = tpu.memref_squeeze %dma_start3A_434 : memref<1x128xi32, #tpu.memory_space<vmem>> -> memref<128xi32, #tpu.memory_space<vmem>>
        %dma_start3A_436 = arith.constant 0 : i32
        %dma_start3A_437 = arith.constant 0 : i32
        %dma_start3A_438 = tpu.memref_slice %arg2[%dma_start3A_436, %dma_start3A_437] : memref<10000x128xf32, #tpu.memory_space<hbm>> -> memref<10000x128xf32, #tpu.memory_space<hbm>>
        tpu.enqueue_indirect_dma source(%dma_start3A_438 : memref<10000x128xf32, #tpu.memory_space<hbm>>) target(%arg11 : memref<128x128xf32, #tpu.memory_space<vmem>>) offsets(%dma_start3A_435 : memref<128xi32, #tpu.memory_space<vmem>>) semaphore(%arg14 : memref<!tpu.dma_semaphore, #tpu.memory_space<semaphore_mem>>)
      } else {
      }
      %add3A_414 = arith.constant 1 : i32
      %add3A_415 = arith.addi %add3A_403, %add3A_414 : i32
      %dma_wait3A_416 = arith.constant 0 : i32
      %dma_wait3A_417 = tpu.memref_slice %arg9[%add3A_415, %dma_wait3A_416] : memref<32x128xi32, #tpu.memory_space<vmem>> -> memref<1x128xi32, #tpu.memory_space<vmem>>
      %dma_wait3A_418 = tpu.memref_squeeze %dma_wait3A_417 : memref<1x128xi32, #tpu.memory_space<vmem>> -> memref<128xi32, #tpu.memory_space<vmem>>
      %dma_wait3A_419 = arith.constant 0 : i32
      %dma_wait3A_420 = arith.constant 0 : i32
      %dma_wait3A_421 = tpu.memref_slice %arg2[%dma_wait3A_419, %dma_wait3A_420] : memref<10000x128xf32, #tpu.memory_space<hbm>> -> memref<10000x128xf32, #tpu.memory_space<hbm>>
      tpu.wait_indirect_dma semaphore(%arg15 : memref<!tpu.dma_semaphore, #tpu.memory_space<semaphore_mem>>) src(%dma_wait3A_421 : memref<10000x128xf32, #tpu.memory_space<hbm>>) dst(%arg12 : memref<128x128xf32, #tpu.memory_space<vmem>>)
      %add3A_422 = arith.constant 1 : i32
      %add3A_423 = arith.addi %add3A_403, %add3A_422 : i32
      "tpu.region"() ({
        %run_scoped3A = tpu.sem_alloc : memref<!tpu.dma_semaphore, #tpu.memory_space<semaphore_mem>>
        %dma_start3A_431 = arith.constant 0 : i32
        %dma_start3A_432 = tpu.memref_slice %arg10[%add3A_423, %dma_start3A_431] : memref<32x128xi32, #tpu.memory_space<vmem>> -> memref<1x128xi32, #tpu.memory_space<vmem>>
        %dma_start3A_433 = tpu.memref_squeeze %dma_start3A_432 : memref<1x128xi32, #tpu.memory_space<vmem>> -> memref<128xi32, #tpu.memory_space<vmem>>
        %dma_start3A_434 = arith.constant 0 : i32
        %dma_start3A_435 = arith.constant 0 : i32
        %dma_start3A_436 = tpu.memref_slice %arg13[%dma_start3A_434, %dma_start3A_435] : memref<10112x128xf32, #tpu.memory_space<vmem_shared>> -> memref<10112x128xf32, #tpu.memory_space<vmem_shared>>
        tpu.enqueue_indirect_dma source(%arg12 : memref<128x128xf32, #tpu.memory_space<vmem>>) target(%dma_start3A_436 : memref<10112x128xf32, #tpu.memory_space<vmem_shared>>) offsets(%dma_start3A_433 : memref<128xi32, #tpu.memory_space<vmem>>) semaphore(%run_scoped3A : memref<!tpu.dma_semaphore, #tpu.memory_space<semaphore_mem>>) {add = true}
        %dma_wait3A_437 = arith.constant 0 : i32
        %dma_wait3A_438 = tpu.memref_slice %arg10[%add3A_423, %dma_wait3A_437] : memref<32x128xi32, #tpu.memory_space<vmem>> -> memref<1x128xi32, #tpu.memory_space<vmem>>
        %dma_wait3A_439 = tpu.memref_squeeze %dma_wait3A_438 : memref<1x128xi32, #tpu.memory_space<vmem>> -> memref<128xi32, #tpu.memory_space<vmem>>
        %dma_wait3A_440 = arith.constant 0 : i32
        %dma_wait3A_441 = arith.constant 0 : i32
        %dma_wait3A_442 = tpu.memref_slice %arg13[%dma_wait3A_440, %dma_wait3A_441] : memref<10112x128xf32, #tpu.memory_space<vmem_shared>> -> memref<10112x128xf32, #tpu.memory_space<vmem_shared>>
        tpu.wait_indirect_dma semaphore(%run_scoped3A : memref<!tpu.dma_semaphore, #tpu.memory_space<semaphore_mem>>) src(%arg12 : memref<128x128xf32, #tpu.memory_space<vmem>>) dst(%dma_wait3A_442 : memref<10112x128xf32, #tpu.memory_space<vmem_shared>>)
        tpu.yield
      }) : () -> ()
      %add3A_424 = arith.constant 3 : i32
      %add3A_425 = arith.addi %add3A_403, %add3A_424 : i32
      %lt3A_426 = arith.constant 8 : i32
      %lt3A_427 = arith.cmpi slt, %add3A_425, %lt3A_426 : i32
      %convert_element_type3A_428 = arith.extui %lt3A_427 : i1 to i32
      %cond3A_429 = arith.constant 0 : i32
      %cond3A_430 = arith.cmpi ne, %convert_element_type3A_428, %cond3A_429 : i32
      scf.if %cond3A_430 {
        %add3A_431 = arith.constant 3 : i32
        %add3A_432 = arith.addi %add3A_403, %add3A_431 : i32
        %dma_start3A_433 = arith.constant 0 : i32
        %dma_start3A_434 = tpu.memref_slice %arg9[%add3A_432, %dma_start3A_433] : memref<32x128xi32, #tpu.memory_space<vmem>> -> memref<1x128xi32, #tpu.memory_space<vmem>>
        %dma_start3A_435 = tpu.memref_squeeze %dma_start3A_434 : memref<1x128xi32, #tpu.memory_space<vmem>> -> memref<128xi32, #tpu.memory_space<vmem>>
        %dma_start3A_436 = arith.constant 0 : i32
        %dma_start3A_437 = arith.constant 0 : i32
        %dma_start3A_438 = tpu.memref_slice %arg2[%dma_start3A_436, %dma_start3A_437] : memref<10000x128xf32, #tpu.memory_space<hbm>> -> memref<10000x128xf32, #tpu.memory_space<hbm>>
        tpu.enqueue_indirect_dma source(%dma_start3A_438 : memref<10000x128xf32, #tpu.memory_space<hbm>>) target(%arg12 : memref<128x128xf32, #tpu.memory_space<vmem>>) offsets(%dma_start3A_435 : memref<128xi32, #tpu.memory_space<vmem>>) semaphore(%arg15 : memref<!tpu.dma_semaphore, #tpu.memory_space<semaphore_mem>>)
      } else {
      }
    }
    %scan3A_393 = arith.constant 4 : i32
    %barrier3A_394 = arith.constant 0 : index
    tpu.barrier barrier_id(%barrier3A_394)
    %mul3A_395 = arith.constant 632 : i32
    %mul3A_396 = arith.muli %arg1, %mul3A_395 : i32
    %mul3A_397 = arith.constant 632 : i32
    %mul3A_398 = arith.muli %arg1, %mul3A_397 : i32
    "tpu.region"() ({
      %run_scoped3A = tpu.sem_alloc : memref<!tpu.dma_semaphore, #tpu.memory_space<semaphore_mem>>
      %dma_start3A_399 = arith.constant 0 : i32
      %dma_start3A_400 = arith.constant 0 : i32
      %dma_start3A_401 = tpu.memref_slice %arg6[%arg0, %dma_start3A_399, %dma_start3A_400] : memref<2x10112x128xf32, #tpu.memory_space<hbm>> -> memref<1x10112x128xf32, #tpu.memory_space<hbm>>
      %dma_start3A_402 = tpu.memref_squeeze %dma_start3A_401 : memref<1x10112x128xf32, #tpu.memory_space<hbm>> -> memref<10112x128xf32, #tpu.memory_space<hbm>>
      %dma_start3A_403 = arith.constant 0 : i32
      %dma_start3A_404 = tpu.memref_slice %dma_start3A_402[%mul3A_398, %dma_start3A_403] : memref<10112x128xf32, #tpu.memory_space<hbm>> -> memref<632x128xf32, #tpu.memory_space<hbm>>
      %dma_start3A_405 = arith.constant 0 : i32
      %dma_start3A_406 = tpu.memref_slice %arg13[%mul3A_396, %dma_start3A_405] : memref<10112x128xf32, #tpu.memory_space<vmem_shared>> -> memref<632x128xf32, #tpu.memory_space<vmem_shared>>
      tpu.enqueue_dma source(%dma_start3A_406 : memref<632x128xf32, #tpu.memory_space<vmem_shared>>) target(%dma_start3A_404 : memref<632x128xf32, #tpu.memory_space<hbm>>) target_semaphore(%run_scoped3A : memref<!tpu.dma_semaphore, #tpu.memory_space<semaphore_mem>>)
      %dma_wait3A_407 = arith.constant 0 : i32
      %dma_wait3A_408 = arith.constant 0 : i32
      %dma_wait3A_409 = tpu.memref_slice %arg6[%arg0, %dma_wait3A_407, %dma_wait3A_408] : memref<2x10112x128xf32, #tpu.memory_space<hbm>> -> memref<1x10112x128xf32, #tpu.memory_space<hbm>>
      %dma_wait3A_410 = tpu.memref_squeeze %dma_wait3A_409 : memref<1x10112x128xf32, #tpu.memory_space<hbm>> -> memref<10112x128xf32, #tpu.memory_space<hbm>>
      %dma_wait3A_411 = arith.constant 0 : i32
      %dma_wait3A_412 = tpu.memref_slice %dma_wait3A_410[%mul3A_398, %dma_wait3A_411] : memref<10112x128xf32, #tpu.memory_space<hbm>> -> memref<632x128xf32, #tpu.memory_space<hbm>>
      %dma_wait3A_413 = arith.constant 0 : i32
      %dma_wait3A_414 = tpu.memref_slice %arg13[%mul3A_396, %dma_wait3A_413] : memref<10112x128xf32, #tpu.memory_space<vmem_shared>> -> memref<632x128xf32, #tpu.memory_space<vmem_shared>>
      tpu.wait_dma2 semaphore(%run_scoped3A : memref<!tpu.dma_semaphore, #tpu.memory_space<semaphore_mem>>) src(%dma_wait3A_414 : memref<632x128xf32, #tpu.memory_space<vmem_shared>>) dst(%dma_wait3A_412 : memref<632x128xf32, #tpu.memory_space<hbm>>)
      tpu.yield
    }) : () -> ()
    return
  }
}

module attributes {stable_mosaic.version = 14 : i64} {
  func.func @_tc_add_body(%arg0: memref<2x10112x128xf32, #tpu.memory_space<vmem>>, %arg1: memref<10000x128xf32, #tpu.memory_space<vmem>>) attributes {dimension_semantics = [], scalar_prefetch = 0 : i64, scratch_operands = 0 : i64, tpu.core_type = #tpu.core_type<tc>} {
    %get3A = arith.constant 0 : index
    %get3A_0 = arith.constant 0 : index
    %get3A_1 = arith.constant 0 : index
    %get3A_2 = vector.load %arg0[%get3A, %get3A_0, %get3A_1] : memref<2x10112x128xf32, #tpu.memory_space<vmem>>, vector<1x10000x128xf32>
    %get3A_3 = vector.shape_cast %get3A_2 : vector<1x10000x128xf32> to vector<10000x128xf32>
    %get3A_4 = arith.constant 1 : index
    %get3A_5 = arith.constant 0 : index
    %get3A_6 = arith.constant 0 : index
    %get3A_7 = vector.load %arg0[%get3A_4, %get3A_5, %get3A_6] : memref<2x10112x128xf32, #tpu.memory_space<vmem>>, vector<1x10000x128xf32>
    %get3A_8 = vector.shape_cast %get3A_7 : vector<1x10000x128xf32> to vector<10000x128xf32>
    %add3A = arith.addf %get3A_3, %get3A_8 : vector<10000x128xf32>
    %swap3A = arith.constant 0 : index
    %swap3A_9 = arith.constant 0 : index
    %swap3A_10 = vector.load %arg1[%swap3A, %swap3A_9] : memref<10000x128xf32, #tpu.memory_space<vmem>>, vector<10000x128xf32>
    tpu.vector_store %arg1[%swap3A, %swap3A_9], %add3A {strides = array<i32>} : memref<10000x128xf32, #tpu.memory_space<vmem>>, vector<10000x128xf32>,
    return
  }
}

</mosaic_0001>

<sc_bundles>
// kernel: kernel.4.cloned.1.call-start
scs
__scs_entry_jumppad:
0x0: {  	(pc) =	sbr.rel $0x88, $3  }
0x1: {  	(tag) =	ssettag $0x0;
	lr =	simm.s32 $0x1  }
0x2: {  	[smem:$0x3F9F] =	sst lr;
	_ =	strace $0xD0000000  }
0x3: {  	_ = 	snop  }
0x4: {  	_ = 	snop  }
0x5: {  	_ = 	snop  }
0x6: {  	_ = 	snop  }
0x7: {  	_ = 	snop  }
__scs_overlays_trampoline_lowered:
0x8: {  	[smem:$0x3FAE] =	sst s0  }
0x9: {  	[smem:$0x3FAF] =	sst s1  }
0xa: {  	[smem:$0x3FB0] =	sst s2  }
0xb: {  	[smem:$0x3FB1] =	sst s3  }
0xc: {  	[smem:$0x3FB2] =	sst s4  }
0xd: {  	[smem:$0x3FB3] =	sst s5  }
0xe: {  	[smem:$0x3FB4] =	sst s6  }
0xf: {  	[smem:$0x3FB5] =	sst s7  }
0x10: {  	[smem:$0x3FB6] =	sst s8  }
0x11: {  	[smem:$0x3FB7] =	sst s9;
	s0 =	simm.s32 @!p0 $0x0  }
0x12: {  	s1 =	sld [smem:$0x3F9D];
	s0 =	simm.s32 @p0 $0x1  }
0x13: {  	[smem:$0x3FB8] =	sst s0;
	s0 =	simm.s32 @!p1 $0x0  }
0x14: {  	s2 =	sld [smem:$0x3F9C];
	s0 =	simm.s32 @p1 $0x1  }
0x15: {  	[smem:$0x3FB9] =	sst s0;
	s0 =	simm.s32 @!p2 $0x0  }
0x16: {  	s3 =	sld [smem:$0x3FDB];
	s0 =	simm.s32 @p2 $0x1  }
0x17: {  	s4 =	simm.s32 $0x1BF5;
	[smem:$0x3FBB] =	sst s0  }
0x18: {  	s0 =	sld [smem:$0x3F9E];
	_ =	swait.ge [sflag:s4], $0x0  }
0x19: {  	s7 =	sld [smem:$0x3F9F]  }
0x1a: {  	s8 =	sadd.s32 $0xFFFFE003, lr  }
0x1b: {  	s9 =	sadd.s32 $0xFFFFFEF7, lr;
	s5 =	simm.s32 $0xFFFFFFFF;
	p2 =	slt.u32 s8, $0xFFFFF086  }
0x1c: {  	p1 =	slt.u32 s9, $0xF7A;
	s5 =	simm.s32 @!p2 $0x0  }
0x1d: {  	s5 =	simm.s32 @p1 $0x1;
	p0 =	seq.s32 s7, s2  }
0x1e: {  	s7 =	smul.u32 @!p0 $0xF7A, s2;
	p2 =	seq.s32 @!p0 s5, $0x0  }
0x1f: {  	s9 =	smul.u32 $0xF7A, s1;
	s8 =	simm.s32 @!p0 $0x1BF5;
	p2 =	por !p2, p0  }
0x20: {  	[sflag:s8] =	ssyncset.s32 @!p0 $0xFFFFF086;
	s6 =	sadd.s32 @!p0 s3, s7;
	s7 =	simm.s32 @!p0 $0x108  }
0x21: {  	s3 =	sadd.s32 s3, s9;
	s6 =	sadd.s32 @!p0 $0x88, s6;
	s7 =	simm.s32 @p2 $0x1082  }
0x22: {  	[simem:s7], [sflag:s8] =	dma.local @!p0 [hbm:s6], $0xF7A  }
0x23: {  	s9 =	sor.u32 $0xD0000000, s2;
	s6 =	simm.s32 $0x108;
	_ =	swait.ge @!p0 [sflag:s8], $0x0  }
0x24: {  	s3 =	sadd.s32 $0x88, s3;
	s6 =	simm.s32 @!p1 $0x1082;
	[sflag:s4] =	ssyncset.s32 $0xFFFFF086  }
0x25: {  	[simem:s6], [sflag:s4] =	dma.local [hbm:s3], $0xF7A  }
0x26: {  	[smem:$0x3F9F] =	sst s1;
	(tag) =	ssettag s2;
	_ =	strace s9  }
0x27: {  	s1 =	sld [smem:$0x3FAF]  }
0x28: {  	s2 =	sld [smem:$0x3FB0]  }
0x29: {  	s4 =	sld [smem:$0x3FB2]  }
0x2a: {  	p0 =	seq.s32 s5, $0x0;
	s5 =	sld [smem:$0x3FB3]  }
0x2b: {  	s6 =	sld [smem:$0x3FB4]  }
0x2c: {  	s7 =	sld [smem:$0x3FB5]  }
0x2d: {  	s3 =	simm.s32 $0x108;
	s8 =	sld [smem:$0x3FB6]  }
0x2e: {  	s3 =	simm.s32 @!p0 $0x1082;
	s9 =	sld [smem:$0x3FB7]  }
0x2f: {  	lr =	sadd.s32 s0, s3;
	s0 =	sld [smem:$0x3FAE]  }
0x30: {  	s3 =	sld [smem:$0x3FB1]  }
0x31: {  	[smem:$0x3FBA] =	sst s10  }
0x32: {  	s10 =	sld [smem:$0x3FB8];
	_ =	sdelay $0x3  }
0x33: {  	p0 =	seq.s32 s10, $0x1;
	s10 =	sld [smem:$0x3FBA];
	_ =	sdelay $0x3  }
0x34: {  	[smem:$0x3FBA] =	sst s10  }
0x35: {  	s10 =	sld [smem:$0x3FB9];
	_ =	sdelay $0x3  }
0x36: {  	p1 =	seq.s32 s10, $0x1;
	s10 =	sld [smem:$0x3FBA];
	_ =	sdelay $0x3  }
0x37: {  	[smem:$0x3FBA] =	sst s10  }
0x38: {  	s10 =	sld [smem:$0x3FBB]  }
0x39: {  	_ = 	snop;
	(pc) =	sbr.ind lr, $3  }
0x3a: {  	_ = 	snop  }
0x3b: {  	_ = 	snop  }
0x3c: {  	p2 =	seq.s32 s10, $0x1;
	s10 =	sld [smem:$0x3FBA]  }
0x3d: {  	_ =	shalt  }
0x3e: {  	_ =	shalt  }
0x3f: {  	_ =	shalt  }
0x40: {  	_ =	shalt  }
0x41: {  	_ =	shalt  }
0x42: {  	_ =	shalt  }
0x43: {  	_ =	shalt  }
0x44: {  	_ =	shalt  }
0x45: {  	_ =	shalt  }
0x46: {  	_ =	shalt  }
0x47: {  	_ =	shalt  }
0x48: {  	_ =	shalt  }
0x49: {  	_ =	shalt  }
0x4a: {  	_ =	shalt  }
0x4b: {  	_ =	shalt  }
0x4c: {  	_ =	shalt  }
0x4d: {  	_ =	shalt  }
0x4e: {  	_ =	shalt  }
0x4f: {  	_ =	shalt  }
0x50: {  	_ =	shalt  }
0x51: {  	_ =	shalt  }
0x52: {  	_ =	shalt  }
0x53: {  	_ =	shalt  }
0x54: {  	_ =	shalt  }
0x55: {  	_ =	shalt  }
0x56: {  	_ =	shalt  }
0x57: {  	_ =	shalt  }
0x58: {  	_ =	shalt  }
0x59: {  	_ =	shalt  }
0x5a: {  	_ =	shalt  }
0x5b: {  	_ =	shalt  }
0x5c: {  	_ =	shalt  }
0x5d: {  	_ =	shalt  }
0x5e: {  	_ =	shalt  }
0x5f: {  	_ =	shalt  }
0x60: {  	_ =	shalt  }
0x61: {  	_ =	shalt  }
0x62: {  	_ =	shalt  }
0x63: {  	_ =	shalt  }
0x64: {  	_ =	shalt  }
0x65: {  	_ =	shalt  }
0x66: {  	_ =	shalt  }
0x67: {  	_ =	shalt  }
0x68: {  	_ =	shalt  }
0x69: {  	_ =	shalt  }
0x6a: {  	_ =	shalt  }
0x6b: {  	_ =	shalt  }
0x6c: {  	_ =	shalt  }
0x6d: {  	_ =	shalt  }
0x6e: {  	_ =	shalt  }
0x6f: {  	_ =	shalt  }
0x70: {  	_ =	shalt  }
0x71: {  	_ =	shalt  }
0x72: {  	_ =	shalt  }
0x73: {  	_ =	shalt  }
0x74: {  	_ =	shalt  }
0x75: {  	_ =	shalt  }
0x76: {  	_ =	shalt  }
0x77: {  	_ =	shalt  }
0x78: {  	_ =	shalt  }
0x79: {  	_ =	shalt  }
0x7a: {  	_ =	shalt  }
0x7b: {  	_ =	shalt  }
0x7c: {  	_ =	shalt  }
0x7d: {  	_ =	shalt  }
0x7e: {  	_ =	shalt  }
0x7f: {  	_ =	shalt  }
0x80: {  	_ =	shalt  }
0x81: {  	_ =	shalt  }
0x82: {  	_ =	shalt  }
0x83: {  	_ =	shalt  }
0x84: {  	_ =	shalt  }
0x85: {  	_ =	shalt  }
0x86: {  	_ =	shalt  }
0x87: {  	_ =	shalt  }
.Lfunc_end0:
.L_simem_size_0:
called_computation_lowered:
.L_overlay_start_0:
0x88: {  	s2 =	sld [smem:$0x3FD9]  }
0x89: {  	s3 =	sld [smem:$0x3FFE];
	_ =	sdelay $0x1  }
0x8a: {  	s1 =	srdreg.scid  }
0x8b: {  	s0 =	sand.u32 $0x1, s1  }
0x8c: {  	s17 =	sshll.u32 s0, $0xA;
	s2 =	sadd.s32 s3, s2  }
0x8d: {  	s2 =	sadd.s32 s2, s17  }
0x8e: {  	[smem:$0x3FC6] =	sst s2  }
0x8f: {  	_ = 	snop  }
0x90: {  	s2 =	sld [smem:$0x3FC9]  }
0x91: {  	s18 =	sld [smem:$0x3FD0];
	(tm) =	ssettm $0x1  }
0x92: {  	s4 =	sld [smem:$0x3FFB];
	_ =	sdelay $0x3  }
0x93: {  	_ =	strace s4  }
0x94: {  	s4 =	sld [smem:$0x3FFC];
	_ =	sdelay $0x3  }
0x95: {  	_ =	strace s4  }
0x96: {  	s4 =	sld [smem:$0x3FFD];
	_ =	sdelay $0x3  }
0x97: {  	_ =	strace s4  }
0x98: {  	_ =	strace $0x8FFFFFFF  }
0x99: {  	s19 =	sld [smem:$0x3FDB];
	_ =	sdelay $0x1  }
0x9a: {  	s5 =	simm.s32 $_scs_section_size  }
0x9b: {  	s6 =	simm.s32 $_size__tile_overlayer_lowered;
	s7 =	simm.s32 $_tile_overlayer_lowered  }
0x9c: {  	s22 =	simm.s32 $0x1BFF;
	s21 =	sshll.u32 s7, $0x1;
	s4 =	sadd.s32 s5, s19  }
0x9d: {  	s8 =	simm.s32 $0x0;
	s20 =	sshll.u32 s6, $0x1;
	s6 =	sadd.s32 s21, s4  }
0x9e: {  	[timem:s8], [sflag:s22] =	dma.local [hbm:s6], s20  }
0x9f: {  	_ =	swait.ge [sflag:s22], s20  }
0xa0: {  	s5 =	ssub.s32 $0x0, s20;
	[sflag:s22] =	ssyncset.done $0x0  }
0xa1: {  	[sflag:s22] =	ssyncadd.s32 s5;
	_ =	sdelay $0x1  }
0xa2: {  	s23 =	simm.s32 $0x1B8B  }
0xa3: {  	_ =	swait.ge [sflag:s23], $0x1  }
0xa4: {  	[sflag:s23] =	ssyncset.done $0x0  }
0xa5: {  	s25 =	simm.s32 $0x1B8E;
	s24 =	sld [smem:$0x3FFE];
	[sflag:s23] =	ssyncadd.s32 $0xFFFFFFFF  }
0xa6: {  	s26 =	simm.s32 $execute0_lowered;
	[smem:$0x3FD2] =	sst s25  }
0xa7: {  	s6 =	sshll.u32 s26, $0x1;
	_ =	strace $0x80000046;
	[dreg:$0x1] =	wrdreg $0xFFFFFFFF  }
0xa8: {  	s28 =	simm.s32 $_size_execute0_lowered;
	s4 =	sadd.s32 s4, s6;
	[dreg:$0x0] =	wrdreg $0x0  }
0xa9: {  	s6 =	sshll.u32 s28, $0x1;
	[dreg:$0x2] =	wrdreg s4  }
0xaa: {  	[dreg:$0x3] =	wrdreg s6  }
0xab: {  	[dreg:$0x4] =	wrdreg $0xC0  }
0xac: {  	_ =	task [dreg:s8], $0x5FFFF  }
0xad: {  	[dreg:$0x1] =	wrdreg $0xFFFFFFFF  }
0xae: {  	[dreg:$0x0] =	wrdreg $0x60  }
0xaf: {  	[dreg:$0x2] =	wrdreg s2  }
0xb0: {  	[dreg:$0x3] =	wrdreg s18  }
0xb1: {  	[dreg:$0x4] =	wrdreg s24  }
0xb2: {  	[dreg:$0x5] =	wrdreg $0xC0000  }
0xb3: {  	[dreg:$0x6] =	wrdreg $0x9  }
0xb4: {  	_ =	task.clear_ibuf [dreg:s8], $0x7FFFF;
	_ =	strace $0x90000046  }
0xb5: {  	s29 =	simm.s32 $0x9;
	_ =	strace $0x80000048  }
0xb6: {  	_ =	swait.ge [sflag:s29], $0x1  }
0xb7: {  	[sflag:s29] =	ssyncadd.s32 $0xFFFFFFFF  }
0xb8: {  	_ =	strace $0x90000048  }
0xb9: {  	_ =	sfence  }
0xba: {  	s30 =	sld [smem:$0x0];
	_ =	sdelay $0x2  }
0xbb: {  	s31 =	sshll.u32 s1, $0xD;
	s1 =	sshrl.u32 s1, $0x2  }
0xbc: {  	s3 =	sand.u32 $0x4000, s31;
	s1 =	sadd.s32 s1, s30  }
0xbd: {  	s0 =	sor.u32 s3, s0;
	s1 =	sshll.u32 s1, $0x11  }
0xbe: {  	s0 =	sor.u32 s1, s0  }
0xbf: {  	s0 =	sadd.s32 $0x8F2B, s0  }
0xc0: {  	[sflag:s0] =	ssyncadd.remote.s32 $0x1  }
0xc1: {  	_ =	sfence.sel $0xFFFF  }
0xc2: {  	[dreg:$0x0] =	wrdreg $0xFFFFFFFF;
	(pc) =	sbr.abs _section_cstart, $3  }
0xc3: {  	[dreg:$0x1] =	wrdreg $0xFFFFFFFF  }
0xc4: {  	_ =	task.clear_ibuf [dreg:s8], $0x2FFFF;
	_ =	strace $0x9FFFFFFF  }
0xc5: {  	(tm) =	ssettm $0x7FFFFFFF  }
tec
execute0_lowered:
.L_overlay_start_1:
0x0: {  	(tag) =	ssettag $0x1  }
0x1: {  	s1 =	rddreg [dreg:$0x0]  }
0x2: {  	s0 =	rddreg [dreg:$0x1]  }
0x3: {  	s3 =	rddreg [dreg:$0x2]  }
0x4: {  	s2 =	rddreg [dreg:$0x3]  }
0x5: {  	s4 =	srdreg.scid;
	s16 =	stileid.u32  }
0x6: {  	s17 =	simm.s32 $0x2000;
	s18 =	simm.s32 $0x3000;
	s19 =	simm.s32 $0x80  }
0x7: {  	s20 =	simm.s32 $0x4000;
	s21 =	simm.s32 $0x8000;
	s23 =	simm.s32 $0x5  }
0x8: {  	s30 =	simm.s32 $0x4;
	s31 =	simm.s32 $0x2080;
	s5 =	sand.u32 $0x1, s4  }
0x9: {  	s4 =	simm.s32 $0x0;
	s8 =	sadd.s32 $0x2A00, s3;
	s10 =	smul.u32 $0x4F000, s16  }
0xa: {  	s12 =	sadd.s32 $0x9C80, s0;
	s28 =	sadd.s32 $0x1A00, s3;
	s24 =	smul.u32 $0x2780, s16  }
0xb: {  	s6 =	sshll.u32 s5, $0x4;
	[smem:$0x7FF] =	sst s4;
	s7 =	smul.u32 $0x27800, s5  }
0xc: {  	s5 =	ssub.s32 $0x2, s5;
	s6 =	sor.u32 s16, s6;
	_ =	strace $0x80000047  }
0xd: {  	[dreg:$0x5] =	wrdreg s8;
	s25 =	sshrl.u32 s5, $0x1;
	s10 =	sshrl.u32 s10, $0x2  }
0xe: {  	s16 =	simm.s32 $0x3;
	s22 =	sshll.u32 s6, $0x7;
	s9 =	smul.u32 $0x2400, s6  }
0xf: {  	s14 =	sadd.s32 s7, s3;
	s5 =	ssub.s32 s5, s25;
	s26 =	smul.u32 $0x480, s6  }
0x10: {  	s10 =	sadd.s32 s10, s2;
	s25 =	simm.s32 $0x1;
	s13 =	sadd.s32 s22, s3  }
0x11: {  	s29 =	sadd.s32 $0x5200, s14;
	s14 =	smax.u32 s5, $0x1;
	s22 =	sadd.s32 s22, s28  }
0x12: {  	s9 =	sshrl.u32 s9, $0x3;
	s6 =	sadd.s32 s0, s26;
	s7 =	sadd.s32 s26, s12  }
0x13: {  	s13 =	sadd.s32 $0xA00, s13;
	s24 =	sadd.s32 s24, s29;
	s26 =	simm.s32 $0x2  }
0x14: {  	[dreg:$0x6] =	wrdreg s6;
	s11 =	sadd.s32 $0x200, s9;
	s15 =	sadd.s32 $0x400, s9  }
0x15: {  	s8 =	sadd.s32 s0, s11;
	s9 =	sadd.s32 s11, s12;
	s11 =	sadd.s32 s0, s15  }
0x16: {  	s12 =	sadd.s32 s15, s12;
	s15 =	simm.s32 $0x1000;
	s0 =	simm.s32 $0x0  }
.LBB2_1:
0x17: {  	s3 =	rddreg [dreg:$0x6]  }
0x18: {  	[tilespmem:s4], [sflag:$0x3] =	stream.linear.gather [hbm4b:s3+s4], $0x1000, $0x38;
	[tilespmem:$0x1FC00] =	vst v63  }
0x19: {  	_ = 	snop  }
0x1a: {  	[tilespmem:s15], [sflag:$0x3] =	stream.linear.gather [hbm4b:s7+s4], $0x1000, $0x38;
	[tilespmem:$0x1FC00] =	vst v63  }
0x1b: {  	_ =	swait.ge [sflag:s16], $0x1000  }
0x1c: {  	[sflag:s16] =	ssyncset.done $0x0  }
0x1d: {  	[sflag:s16] =	ssyncadd.s32 $0xFFFFF000  }
0x1e: {  	_ =	swait.ge [sflag:s16], $0x1000  }
0x1f: {  	[sflag:s16] =	ssyncset.done $0x0  }
0x20: {  	[sflag:s16] =	ssyncadd.s32 $0xFFFFF000  }
0x21: {  	[tilespmem:s17], [sflag:$0x4] =	stream.linear.gather [hbm4b:s8+s4], $0x1000, $0x38;
	[tilespmem:$0x1FC00] =	vst v63  }
0x22: {  	s5 =	stileid.u32  }
0x23: {  	[tilespmem:s18], [sflag:$0x4] =	stream.linear.gather [hbm4b:s9+s4], $0x1000, $0x38;
	[tilespmem:$0x1FC00] =	vst v63  }
0x24: {  	s3 =	sshll.u32 s5, $0x6  }
0x25: {  	[tilespmem:s20], [sflag:$0x1] =	stream.indirect.gather [hbm4b:s1+s19], $0x80, s4, s19, $0xb8;
	[tilespmem:$0x1FC00] =	vst v63  }
0x26: {  	s28 =	sshrl.u32 s10, $0x3;
	s3 =	sor.u32 $0x1C05, s3;
	s5 =	rddreg [dreg:$0x5]  }
0x27: {  	[tilespmem:s21], [sflag:$0x2] =	stream.indirect.gather [hbm4b:s1+s19], $0x80, s19, s19, $0xb8;
	[tilespmem:$0x1FC00] =	vst v63  }
0x28: {  	[spmem:s28], [sflag:s3] =	dma.local [hbm:s5], $0x2780  }
0x29: {  	_ =	swait.ge [sflag:s23], $0x2780  }
0x2a: {  	[sflag:s23] =	ssyncset.done $0x0  }
0x2b: {  	[sflag:s23] =	ssyncadd.s32 $0xFFFFD880  }
0x2c: {  	[bflag:$0x0] =	sbarrier.arrive $0xFFFF  }
0x2d: {  	_ =	swait.ge [sflag:s25], $0x4000  }
0x2e: {  	[sflag:s25] =	ssyncset.done $0x0  }
0x2f: {  	s6 =	simm.s32 $0x1000;
	[sflag:s25] =	ssyncadd.s32 $0xFFFFC000  }
0x30: {  	[spmem:s2] =	stream.indirect.scatter.add.f32 [tilespmem:s20], [sflag:$0x5], $0x80, s6, s19, $0xb8;
	[tilespmem:$0x1FC00] =	vst v63  }
0x31: {  	_ =	swait.ge [sflag:s23], $0x4000  }
0x32: {  	[sflag:s23] =	ssyncset.done $0x0  }
0x33: {  	s6 =	simm.s32 $0x100;
	[sflag:s23] =	ssyncadd.s32 $0xFFFFC000  }
0x34: {  	[tilespmem:s20], [sflag:$0x1] =	stream.indirect.gather [hbm4b:s1+s19], $0x80, s6, s19, $0xb8;
	[tilespmem:$0x1FC00] =	vst v63  }
0x35: {  	_ =	swait.ge [sflag:s26], $0x4000  }
0x36: {  	[sflag:s26] =	ssyncset.done $0x0  }
0x37: {  	s6 =	simm.s32 $0x1080;
	[sflag:s26] =	ssyncadd.s32 $0xFFFFC000  }
0x38: {  	[spmem:s2] =	stream.indirect.scatter.add.f32 [tilespmem:s21], [sflag:$0x5], $0x80, s6, s19, $0xb8;
	[tilespmem:$0x1FC00] =	vst v63  }
0x39: {  	_ =	swait.ge [sflag:s23], $0x4000  }
0x3a: {  	[sflag:s23] =	ssyncset.done $0x0  }
0x3b: {  	s29 =	simm.s32 $0x400;
	s5 =	simm.s32 $0x180;
	[sflag:s23] =	ssyncadd.s32 $0xFFFFC000  }
.LBB2_2:
0x3c: {  	[tilespmem:s21], [sflag:$0x2] =	stream.indirect.gather [hbm4b:s1+s19], $0x80, s5, s19, $0xb8;
	[tilespmem:$0x1FC00] =	vst v63  }
0x3d: {  	s5 =	smov.u32 s29  }
0x3e: {  	p0 =	sne.s32 s29, $0x3800;
	s29 =	sadd.s32 $0x400, s29;
	_ =	swait.ge [sflag:s25], $0x4000  }
0x3f: {  	s5 =	sshra.s32 s5, $0x2;
	[sflag:s25] =	ssyncset.done $0x0  }
0x40: {  	s6 =	sadd.s32 $0x1000, s5;
	[sflag:s25] =	ssyncadd.s32 $0xFFFFC000  }
0x41: {  	[spmem:s2] =	stream.indirect.scatter.add.f32 [tilespmem:s20], [sflag:$0x5], $0x80, s6, s19, $0xb8;
	[tilespmem:$0x1FC00] =	vst v63  }
0x42: {  	_ =	swait.ge [sflag:s23], $0x4000  }
0x43: {  	[sflag:s23] =	ssyncset.done $0x0  }
0x44: {  	s6 =	sadd.s32 $0x100, s5;
	[sflag:s23] =	ssyncadd.s32 $0xFFFFC000  }
0x45: {  	[tilespmem:s20], [sflag:$0x1] =	stream.indirect.gather [hbm4b:s1+s19], $0x80, s6, s19, $0xb8;
	[tilespmem:$0x1FC00] =	vst v63  }
0x46: {  	_ =	swait.ge [sflag:s26], $0x4000  }
0x47: {  	[sflag:s26] =	ssyncset.done $0x0  }
.Ltmp0:
0x48: {  	s6 =	sadd.s32 $0x1080, s5;
	[sflag:s26] =	ssyncadd.s32 $0xFFFFC000;
	(pc) =	sbr.rel @p0 .LBB2_2-.Ltmp0, $4  }
0x49: {  	[spmem:s2] =	stream.indirect.scatter.add.f32 [tilespmem:s21], [sflag:$0x5], $0x80, s6, s19, $0xb8;
	[tilespmem:$0x1FC00] =	vst v63  }
0x4a: {  	_ =	swait.ge [sflag:s23], $0x4000  }
0x4b: {  	[sflag:s23] =	ssyncset.done $0x0  }
0x4c: {  	s5 =	sadd.s32 $0x180, s5;
	[sflag:s23] =	ssyncadd.s32 $0xFFFFC000  }
0x4d: {  	[tilespmem:s21], [sflag:$0x2] =	stream.indirect.gather [hbm4b:s1+s19], $0x80, s5, s19, $0xb8;
	[tilespmem:$0x1FC00] =	vst v63  }
0x4e: {  	_ =	swait.ge [sflag:s25], $0x4000  }
0x4f: {  	[sflag:s25] =	ssyncset.done $0x0  }
0x50: {  	s6 =	simm.s32 $0x1F00;
	[sflag:s25] =	ssyncadd.s32 $0xFFFFC000  }
0x51: {  	[spmem:s2] =	stream.indirect.scatter.add.f32 [tilespmem:s20], [sflag:$0x5], $0x80, s6, s19, $0xb8;
	[tilespmem:$0x1FC00] =	vst v63  }
0x52: {  	_ =	swait.ge [sflag:s23], $0x4000  }
0x53: {  	[sflag:s23] =	ssyncset.done $0x0  }
0x54: {  	[sflag:s23] =	ssyncadd.s32 $0xFFFFC000  }
0x55: {  	_ =	swait.ge [sflag:s26], $0x4000  }
0x56: {  	[sflag:s26] =	ssyncset.done $0x0  }
0x57: {  	s6 =	simm.s32 $0x1F80;
	[sflag:s26] =	ssyncadd.s32 $0xFFFFC000  }
0x58: {  	[spmem:s2] =	stream.indirect.scatter.add.f32 [tilespmem:s21], [sflag:$0x5], $0x80, s6, s19, $0xb8;
	[tilespmem:$0x1FC00] =	vst v63  }
0x59: {  	_ =	swait.ge [sflag:s23], $0x4000  }
0x5a: {  	[sflag:s23] =	ssyncset.done $0x0  }
0x5b: {  	[sflag:s23] =	ssyncadd.s32 $0xFFFFC000  }
0x5c: {  	_ =	swait.ge [sflag:s30], $0x1000  }
0x5d: {  	[sflag:s30] =	ssyncset.done $0x0  }
0x5e: {  	[sflag:s30] =	ssyncadd.s32 $0xFFFFF000  }
0x5f: {  	_ =	swait.ge [sflag:s30], $0x1000  }
0x60: {  	[sflag:s30] =	ssyncset.done $0x0  }
0x61: {  	[sflag:s30] =	ssyncadd.s32 $0xFFFFF000  }
0x62: {  	[tilespmem:s20], [sflag:$0x1] =	stream.indirect.gather [hbm4b:s1+s19], $0x80, s17, s19, $0xb8;
	[tilespmem:$0x1FC00] =	vst v63  }
0x63: {  	_ = 	snop  }
0x64: {  	[tilespmem:s21], [sflag:$0x2] =	stream.indirect.gather [hbm4b:s1+s19], $0x80, s31, s19, $0xb8;
	[tilespmem:$0x1FC00] =	vst v63  }
0x65: {  	s6 =	simm.s32 $0x0  }
0x66: {  	[tilespmem:s6], [sflag:$0x3] =	stream.linear.gather [hbm4b:s11+s6], $0x400, $0x38;
	[tilespmem:$0x1FC00] =	vst v63  }
0x67: {  	_ = 	snop  }
0x68: {  	[tilespmem:s15], [sflag:$0x3] =	stream.linear.gather [hbm4b:s12+s6], $0x400, $0x38;
	[tilespmem:$0x1FC00] =	vst v63  }
0x69: {  	_ =	swait.ge [sflag:s25], $0x4000  }
0x6a: {  	[sflag:s25] =	ssyncset.done $0x0  }
0x6b: {  	s6 =	simm.s32 $0x3000;
	[sflag:s25] =	ssyncadd.s32 $0xFFFFC000  }
0x6c: {  	[spmem:s2] =	stream.indirect.scatter.add.f32 [tilespmem:s20], [sflag:$0x5], $0x80, s6, s19, $0xb8;
	[tilespmem:$0x1FC00] =	vst v63  }
0x6d: {  	_ =	swait.ge [sflag:s23], $0x4000  }
0x6e: {  	[sflag:s23] =	ssyncset.done $0x0  }
0x6f: {  	s6 =	simm.s32 $0x2100;
	[sflag:s23] =	ssyncadd.s32 $0xFFFFC000  }
0x70: {  	[tilespmem:s20], [sflag:$0x1] =	stream.indirect.gather [hbm4b:s1+s19], $0x80, s6, s19, $0xb8;
	[tilespmem:$0x1FC00] =	vst v63  }
0x71: {  	_ =	swait.ge [sflag:s26], $0x4000  }
0x72: {  	[sflag:s26] =	ssyncset.done $0x0  }
0x73: {  	s6 =	simm.s32 $0x3080;
	[sflag:s26] =	ssyncadd.s32 $0xFFFFC000  }
0x74: {  	[spmem:s2] =	stream.indirect.scatter.add.f32 [tilespmem:s21], [sflag:$0x5], $0x80, s6, s19, $0xb8;
	[tilespmem:$0x1FC00] =	vst v63  }
0x75: {  	_ =	swait.ge [sflag:s23], $0x4000  }
0x76: {  	[sflag:s23] =	ssyncset.done $0x0  }
0x77: {  	s29 =	simm.s32 $0x400;
	s5 =	simm.s32 $0x2180;
	[sflag:s23] =	ssyncadd.s32 $0xFFFFC000  }
.LBB2_4:
0x78: {  	[tilespmem:s21], [sflag:$0x2] =	stream.indirect.gather [hbm4b:s1+s19], $0x80, s5, s19, $0xb8;
	[tilespmem:$0x1FC00] =	vst v63  }
0x79: {  	s5 =	smov.u32 s29  }
0x7a: {  	p0 =	sne.s32 s29, $0x3800;
	s29 =	sadd.s32 $0x400, s29;
	_ =	swait.ge [sflag:s25], $0x4000  }
0x7b: {  	s5 =	sshra.s32 s5, $0x2;
	[sflag:s25] =	ssyncset.done $0x0  }
0x7c: {  	s6 =	sadd.s32 $0x3000, s5;
	[sflag:s25] =	ssyncadd.s32 $0xFFFFC000  }
0x7d: {  	[spmem:s2] =	stream.indirect.scatter.add.f32 [tilespmem:s20], [sflag:$0x5], $0x80, s6, s19, $0xb8;
	[tilespmem:$0x1FC00] =	vst v63  }
0x7e: {  	_ =	swait.ge [sflag:s23], $0x4000  }
0x7f: {  	[sflag:s23] =	ssyncset.done $0x0  }
0x80: {  	s6 =	sadd.s32 $0x2100, s5;
	[sflag:s23] =	ssyncadd.s32 $0xFFFFC000  }
0x81: {  	[tilespmem:s20], [sflag:$0x1] =	stream.indirect.gather [hbm4b:s1+s19], $0x80, s6, s19, $0xb8;
	[tilespmem:$0x1FC00] =	vst v63  }
0x82: {  	_ =	swait.ge [sflag:s26], $0x4000  }
0x83: {  	[sflag:s26] =	ssyncset.done $0x0  }
.Ltmp1:
0x84: {  	s6 =	sadd.s32 $0x3080, s5;
	[sflag:s26] =	ssyncadd.s32 $0xFFFFC000;
	(pc) =	sbr.rel @p0 .LBB2_4-.Ltmp1, $4  }
0x85: {  	[spmem:s2] =	stream.indirect.scatter.add.f32 [tilespmem:s21], [sflag:$0x5], $0x80, s6, s19, $0xb8;
	[tilespmem:$0x1FC00] =	vst v63  }
0x86: {  	_ =	swait.ge [sflag:s23], $0x4000  }
0x87: {  	[sflag:s23] =	ssyncset.done $0x0  }
0x88: {  	s5 =	sadd.s32 $0x2180, s5;
	[sflag:s23] =	ssyncadd.s32 $0xFFFFC000  }
0x89: {  	[tilespmem:s21], [sflag:$0x2] =	stream.indirect.gather [hbm4b:s1+s19], $0x80, s5, s19, $0xb8;
	[tilespmem:$0x1FC00] =	vst v63  }
0x8a: {  	_ =	swait.ge [sflag:s25], $0x4000  }
0x8b: {  	[sflag:s25] =	ssyncset.done $0x0  }
0x8c: {  	s6 =	simm.s32 $0x3F00;
	[sflag:s25] =	ssyncadd.s32 $0xFFFFC000  }
0x8d: {  	[spmem:s2] =	stream.indirect.scatter.add.f32 [tilespmem:s20], [sflag:$0x5], $0x80, s6, s19, $0xb8;
	[tilespmem:$0x1FC00] =	vst v63  }
0x8e: {  	_ =	swait.ge [sflag:s23], $0x4000  }
0x8f: {  	[sflag:s23] =	ssyncset.done $0x0  }
0x90: {  	[sflag:s23] =	ssyncadd.s32 $0xFFFFC000  }
0x91: {  	_ =	swait.ge [sflag:s26], $0x4000  }
0x92: {  	[sflag:s26] =	ssyncset.done $0x0  }
0x93: {  	s29 =	simm.s32 $0x3F80;
	[sflag:s26] =	ssyncadd.s32 $0xFFFFC000  }
0x94: {  	[spmem:s2] =	stream.indirect.scatter.add.f32 [tilespmem:s21], [sflag:$0x5], $0x80, s29, s19, $0xb8;
	[tilespmem:$0x1FC00] =	vst v63  }
0x95: {  	_ =	swait.ge [sflag:s23], $0x4000  }
0x96: {  	[sflag:s23] =	ssyncset.done $0x0  }
0x97: {  	[sflag:s23] =	ssyncadd.s32 $0xFFFFC000  }
0x98: {  	_ =	swait.ge [sflag:s16], $0x400  }
0x99: {  	[sflag:s16] =	ssyncset.done $0x0  }
0x9a: {  	[sflag:s16] =	ssyncadd.s32 $0xFFFFFC00  }
0x9b: {  	_ =	swait.ge [sflag:s16], $0x400  }
0x9c: {  	[sflag:s16] =	ssyncset.done $0x0  }
0x9d: {  	[sflag:s16] =	ssyncadd.s32 $0xFFFFFC00  }
0x9e: {  	[tilespmem:s20], [sflag:$0x1] =	stream.indirect.gather [hbm4b:s1+s19], $0x80, s4, s19, $0xb8;
	[tilespmem:$0x1FC00] =	vst v63  }
0x9f: {  	_ = 	snop  }
0xa0: {  	[tilespmem:s21], [sflag:$0x2] =	stream.indirect.gather [hbm4b:s1+s19], $0x80, s19, s19, $0xb8;
	[tilespmem:$0x1FC00] =	vst v63  }
0xa1: {  	_ = 	snop  }
0xa2: {  	[tilespmem:s17], [sflag:$0x4] =	stream.linear.gather [hbm4b:s13+s4], $0x400, $0x38;
	[tilespmem:$0x1FC00] =	vst v63  }
0xa3: {  	_ = 	snop  }
0xa4: {  	[tilespmem:s18], [sflag:$0x4] =	stream.linear.gather [hbm4b:s22+s4], $0x400, $0x38;
	[tilespmem:$0x1FC00] =	vst v63  }
0xa5: {  	_ =	swait.ge [sflag:s25], $0x4000  }
0xa6: {  	[sflag:s25] =	ssyncset.done $0x0  }
0xa7: {  	[sflag:s25] =	ssyncadd.s32 $0xFFFFC000  }
0xa8: {  	[spmem:s2] =	stream.indirect.scatter.add.f32 [tilespmem:s20], [sflag:$0x5], $0x80, s15, s19, $0xb8;
	[tilespmem:$0x1FC00] =	vst v63  }
0xa9: {  	_ =	swait.ge [sflag:s23], $0x4000  }
0xaa: {  	[sflag:s23] =	ssyncset.done $0x0  }
0xab: {  	s6 =	simm.s32 $0x100;
	[sflag:s23] =	ssyncadd.s32 $0xFFFFC000  }
0xac: {  	[tilespmem:s20], [sflag:$0x1] =	stream.indirect.gather [hbm4b:s1+s19], $0x80, s6, s19, $0xb8;
	[tilespmem:$0x1FC00] =	vst v63  }
0xad: {  	_ =	swait.ge [sflag:s26], $0x4000  }
0xae: {  	[sflag:s26] =	ssyncset.done $0x0  }
0xaf: {  	s29 =	simm.s32 $0x1080;
	[sflag:s26] =	ssyncadd.s32 $0xFFFFC000  }
0xb0: {  	[spmem:s2] =	stream.indirect.scatter.add.f32 [tilespmem:s21], [sflag:$0x5], $0x80, s29, s19, $0xb8;
	[tilespmem:$0x1FC00] =	vst v63  }
0xb1: {  	_ =	swait.ge [sflag:s23], $0x4000  }
0xb2: {  	[sflag:s23] =	ssyncset.done $0x0  }
0xb3: {  	s6 =	simm.s32 $0x180;
	[sflag:s23] =	ssyncadd.s32 $0xFFFFC000  }
0xb4: {  	[tilespmem:s21], [sflag:$0x2] =	stream.indirect.gather [hbm4b:s1+s19], $0x80, s6, s19, $0xb8;
	[tilespmem:$0x1FC00] =	vst v63  }
0xb5: {  	_ =	swait.ge [sflag:s25], $0x4000  }
0xb6: {  	[sflag:s25] =	ssyncset.done $0x0  }
0xb7: {  	s29 =	simm.s32 $0x1100;
	[sflag:s25] =	ssyncadd.s32 $0xFFFFC000  }
0xb8: {  	[spmem:s2] =	stream.indirect.scatter.add.f32 [tilespmem:s20], [sflag:$0x5], $0x80, s29, s19, $0xb8;
	[tilespmem:$0x1FC00] =	vst v63  }
0xb9: {  	_ =	swait.ge [sflag:s23], $0x4000  }
0xba: {  	[sflag:s23] =	ssyncset.done $0x0  }
0xbb: {  	s6 =	simm.s32 $0x200;
	[sflag:s23] =	ssyncadd.s32 $0xFFFFC000  }
0xbc: {  	[tilespmem:s20], [sflag:$0x1] =	stream.indirect.gather [hbm4b:s1+s19], $0x80, s6, s19, $0xb8;
	[tilespmem:$0x1FC00] =	vst v63  }
0xbd: {  	_ =	swait.ge [sflag:s26], $0x4000  }
0xbe: {  	[sflag:s26] =	ssyncset.done $0x0  }
0xbf: {  	s29 =	simm.s32 $0x1180;
	[sflag:s26] =	ssyncadd.s32 $0xFFFFC000  }
0xc0: {  	[spmem:s2] =	stream.indirect.scatter.add.f32 [tilespmem:s21], [sflag:$0x5], $0x80, s29, s19, $0xb8;
	[tilespmem:$0x1FC00] =	vst v63  }
0xc1: {  	_ =	swait.ge [sflag:s23], $0x4000  }
0xc2: {  	[sflag:s23] =	ssyncset.done $0x0  }
0xc3: {  	s6 =	simm.s32 $0x280;
	[sflag:s23] =	ssyncadd.s32 $0xFFFFC000  }
0xc4: {  	[tilespmem:s21], [sflag:$0x2] =	stream.indirect.gather [hbm4b:s1+s19], $0x80, s6, s19, $0xb8;
	[tilespmem:$0x1FC00] =	vst v63  }
0xc5: {  	_ =	swait.ge [sflag:s25], $0x4000  }
0xc6: {  	[sflag:s25] =	ssyncset.done $0x0  }
0xc7: {  	s29 =	simm.s32 $0x1200;
	[sflag:s25] =	ssyncadd.s32 $0xFFFFC000  }
0xc8: {  	[spmem:s2] =	stream.indirect.scatter.add.f32 [tilespmem:s20], [sflag:$0x5], $0x80, s29, s19, $0xb8;
	[tilespmem:$0x1FC00] =	vst v63  }
0xc9: {  	_ =	swait.ge [sflag:s23], $0x4000  }
0xca: {  	[sflag:s23] =	ssyncset.done $0x0  }
0xcb: {  	s6 =	simm.s32 $0x300;
	[sflag:s23] =	ssyncadd.s32 $0xFFFFC000  }
0xcc: {  	[tilespmem:s20], [sflag:$0x1] =	stream.indirect.gather [hbm4b:s1+s19], $0x80, s6, s19, $0xb8;
	[tilespmem:$0x1FC00] =	vst v63  }
0xcd: {  	_ =	swait.ge [sflag:s26], $0x4000  }
0xce: {  	[sflag:s26] =	ssyncset.done $0x0  }
0xcf: {  	s29 =	simm.s32 $0x1280;
	[sflag:s26] =	ssyncadd.s32 $0xFFFFC000  }
0xd0: {  	[spmem:s2] =	stream.indirect.scatter.add.f32 [tilespmem:s21], [sflag:$0x5], $0x80, s29, s19, $0xb8;
	[tilespmem:$0x1FC00] =	vst v63  }
0xd1: {  	_ =	swait.ge [sflag:s23], $0x4000  }
0xd2: {  	[sflag:s23] =	ssyncset.done $0x0  }
0xd3: {  	s6 =	simm.s32 $0x380;
	[sflag:s23] =	ssyncadd.s32 $0xFFFFC000  }
0xd4: {  	[tilespmem:s21], [sflag:$0x2] =	stream.indirect.gather [hbm4b:s1+s19], $0x80, s6, s19, $0xb8;
	[tilespmem:$0x1FC00] =	vst v63  }
0xd5: {  	_ =	swait.ge [sflag:s25], $0x4000  }
0xd6: {  	[sflag:s25] =	ssyncset.done $0x0  }
0xd7: {  	s29 =	simm.s32 $0x1300;
	[sflag:s25] =	ssyncadd.s32 $0xFFFFC000  }
0xd8: {  	[spmem:s2] =	stream.indirect.scatter.add.f32 [tilespmem:s20], [sflag:$0x5], $0x80, s29, s19, $0xb8;
	[tilespmem:$0x1FC00] =	vst v63  }
0xd9: {  	_ =	swait.ge [sflag:s23], $0x4000  }
0xda: {  	[sflag:s23] =	ssyncset.done $0x0  }
0xdb: {  	[sflag:s23] =	ssyncadd.s32 $0xFFFFC000  }
0xdc: {  	_ =	swait.ge [sflag:s26], $0x4000  }
0xdd: {  	[sflag:s26] =	ssyncset.done $0x0  }
0xde: {  	s6 =	simm.s32 $0x1380;
	[sflag:s26] =	ssyncadd.s32 $0xFFFFC000  }
0xdf: {  	[spmem:s2] =	stream.indirect.scatter.add.f32 [tilespmem:s21], [sflag:$0x5], $0x80, s6, s19, $0xb8;
	[tilespmem:$0x1FC00] =	vst v63  }
0xe0: {  	_ =	swait.ge [sflag:s23], $0x4000  }
0xe1: {  	[sflag:s23] =	ssyncset.done $0x0  }
0xe2: {  	[sflag:s23] =	ssyncadd.s32 $0xFFFFC000  }
0xe3: {  	_ =	swait.ge [sflag:s30], $0x400  }
0xe4: {  	[sflag:s30] =	ssyncset.done $0x0  }
0xe5: {  	[sflag:s30] =	ssyncadd.s32 $0xFFFFFC00  }
0xe6: {  	_ =	swait.ge [sflag:s30], $0x400  }
0xe7: {  	[sflag:s30] =	ssyncset.done $0x0  }
0xe8: {  	[sflag:s30] =	ssyncadd.s32 $0xFFFFFC00  }
0xe9: {  	[tilespmem:s20], [sflag:$0x1] =	stream.indirect.gather [hbm4b:s1+s19], $0x80, s17, s19, $0xb8;
	[tilespmem:$0x1FC00] =	vst v63  }
0xea: {  	_ = 	snop  }
0xeb: {  	[tilespmem:s21], [sflag:$0x2] =	stream.indirect.gather [hbm4b:s1+s19], $0x80, s31, s19, $0xb8;
	[tilespmem:$0x1FC00] =	vst v63  }
0xec: {  	_ =	swait.ge [sflag:s25], $0x4000  }
0xed: {  	[sflag:s25] =	ssyncset.done $0x0  }
0xee: {  	[sflag:s25] =	ssyncadd.s32 $0xFFFFC000  }
0xef: {  	[spmem:s2] =	stream.indirect.scatter.add.f32 [tilespmem:s20], [sflag:$0x5], $0x80, s18, s19, $0xb8;
	[tilespmem:$0x1FC00] =	vst v63  }
0xf0: {  	_ =	swait.ge [sflag:s23], $0x4000  }
0xf1: {  	[sflag:s23] =	ssyncset.done $0x0  }
0xf2: {  	s29 =	simm.s32 $0x2100;
	[sflag:s23] =	ssyncadd.s32 $0xFFFFC000  }
0xf3: {  	[tilespmem:s20], [sflag:$0x1] =	stream.indirect.gather [hbm4b:s1+s19], $0x80, s29, s19, $0xb8;
	[tilespmem:$0x1FC00] =	vst v63  }
0xf4: {  	_ =	swait.ge [sflag:s26], $0x4000  }
0xf5: {  	[sflag:s26] =	ssyncset.done $0x0  }
0xf6: {  	s6 =	simm.s32 $0x3080;
	[sflag:s26] =	ssyncadd.s32 $0xFFFFC000  }
0xf7: {  	[spmem:s2] =	stream.indirect.scatter.add.f32 [tilespmem:s21], [sflag:$0x5], $0x80, s6, s19, $0xb8;
	[tilespmem:$0x1FC00] =	vst v63  }
0xf8: {  	_ =	swait.ge [sflag:s23], $0x4000  }
0xf9: {  	[sflag:s23] =	ssyncset.done $0x0  }
0xfa: {  	s29 =	simm.s32 $0x2180;
	[sflag:s23] =	ssyncadd.s32 $0xFFFFC000  }
0xfb: {  	[tilespmem:s21], [sflag:$0x2] =	stream.indirect.gather [hbm4b:s1+s19], $0x80, s29, s19, $0xb8;
	[tilespmem:$0x1FC00] =	vst v63  }
0xfc: {  	_ =	swait.ge [sflag:s25], $0x4000  }
0xfd: {  	[sflag:s25] =	ssyncset.done $0x0  }
0xfe: {  	s6 =	simm.s32 $0x3100;
	[sflag:s25] =	ssyncadd.s32 $0xFFFFC000  }
0xff: {  	[spmem:s2] =	stream.indirect.scatter.add.f32 [tilespmem:s20], [sflag:$0x5], $0x80, s6, s19, $0xb8;
	[tilespmem:$0x1FC00] =	vst v63  }
0x100: {  	_ =	swait.ge [sflag:s23], $0x4000  }
0x101: {  	[sflag:s23] =	ssyncset.done $0x0  }
0x102: {  	s29 =	simm.s32 $0x2200;
	[sflag:s23] =	ssyncadd.s32 $0xFFFFC000  }
0x103: {  	[tilespmem:s20], [sflag:$0x1] =	stream.indirect.gather [hbm4b:s1+s19], $0x80, s29, s19, $0xb8;
	[tilespmem:$0x1FC00] =	vst v63  }
0x104: {  	_ =	swait.ge [sflag:s26], $0x4000  }
0x105: {  	[sflag:s26] =	ssyncset.done $0x0  }
0x106: {  	s6 =	simm.s32 $0x3180;
	[sflag:s26] =	ssyncadd.s32 $0xFFFFC000  }
0x107: {  	[spmem:s2] =	stream.indirect.scatter.add.f32 [tilespmem:s21], [sflag:$0x5], $0x80, s6, s19, $0xb8;
	[tilespmem:$0x1FC00] =	vst v63  }
0x108: {  	_ =	swait.ge [sflag:s23], $0x4000  }
0x109: {  	[sflag:s23] =	ssyncset.done $0x0  }
0x10a: {  	s29 =	simm.s32 $0x2280;
	[sflag:s23] =	ssyncadd.s32 $0xFFFFC000  }
0x10b: {  	[tilespmem:s21], [sflag:$0x2] =	stream.indirect.gather [hbm4b:s1+s19], $0x80, s29, s19, $0xb8;
	[tilespmem:$0x1FC00] =	vst v63  }
0x10c: {  	_ =	swait.ge [sflag:s25], $0x4000  }
0x10d: {  	[sflag:s25] =	ssyncset.done $0x0  }
0x10e: {  	s6 =	simm.s32 $0x3200;
	[sflag:s25] =	ssyncadd.s32 $0xFFFFC000  }
0x10f: {  	[spmem:s2] =	stream.indirect.scatter.add.f32 [tilespmem:s20], [sflag:$0x5], $0x80, s6, s19, $0xb8;
	[tilespmem:$0x1FC00] =	vst v63  }
0x110: {  	_ =	swait.ge [sflag:s23], $0x4000  }
0x111: {  	[sflag:s23] =	ssyncset.done $0x0  }
0x112: {  	s29 =	simm.s32 $0x2300;
	[sflag:s23] =	ssyncadd.s32 $0xFFFFC000  }
0x113: {  	[tilespmem:s20], [sflag:$0x1] =	stream.indirect.gather [hbm4b:s1+s19], $0x80, s29, s19, $0xb8;
	[tilespmem:$0x1FC00] =	vst v63  }
0x114: {  	_ =	swait.ge [sflag:s26], $0x4000  }
0x115: {  	[sflag:s26] =	ssyncset.done $0x0  }
0x116: {  	s6 =	simm.s32 $0x3280;
	[sflag:s26] =	ssyncadd.s32 $0xFFFFC000  }
0x117: {  	[spmem:s2] =	stream.indirect.scatter.add.f32 [tilespmem:s21], [sflag:$0x5], $0x80, s6, s19, $0xb8;
	[tilespmem:$0x1FC00] =	vst v63  }
0x118: {  	_ =	swait.ge [sflag:s23], $0x4000  }
0x119: {  	[sflag:s23] =	ssyncset.done $0x0  }
0x11a: {  	s29 =	simm.s32 $0x2380;
	[sflag:s23] =	ssyncadd.s32 $0xFFFFC000  }
0x11b: {  	[tilespmem:s21], [sflag:$0x2] =	stream.indirect.gather [hbm4b:s1+s19], $0x80, s29, s19, $0xb8;
	[tilespmem:$0x1FC00] =	vst v63  }
0x11c: {  	_ =	swait.ge [sflag:s25], $0x4000  }
0x11d: {  	[sflag:s25] =	ssyncset.done $0x0  }
0x11e: {  	s6 =	simm.s32 $0x3300;
	[sflag:s25] =	ssyncadd.s32 $0xFFFFC000  }
0x11f: {  	[spmem:s2] =	stream.indirect.scatter.add.f32 [tilespmem:s20], [sflag:$0x5], $0x80, s6, s19, $0xb8;
	[tilespmem:$0x1FC00] =	vst v63  }
0x120: {  	_ =	swait.ge [sflag:s23], $0x4000  }
0x121: {  	[sflag:s23] =	ssyncset.done $0x0  }
0x122: {  	[sflag:s23] =	ssyncadd.s32 $0xFFFFC000  }
0x123: {  	_ =	swait.ge [sflag:s26], $0x4000  }
0x124: {  	[sflag:s26] =	ssyncset.done $0x0  }
0x125: {  	s29 =	simm.s32 $0x3380;
	[sflag:s26] =	ssyncadd.s32 $0xFFFFC000  }
0x126: {  	[spmem:s2] =	stream.indirect.scatter.add.f32 [tilespmem:s21], [sflag:$0x5], $0x80, s29, s19, $0xb8;
	[tilespmem:$0x1FC00] =	vst v63  }
0x127: {  	_ =	swait.ge [sflag:s23], $0x4000  }
0x128: {  	s0 =	sadd.s32 $0x1, s0;
	[sflag:s23] =	ssyncset.done $0x0  }
0x129: {  	p0 =	sne.s32 s0, s14;
	[sflag:s23] =	ssyncadd.s32 $0xFFFFC000  }
.Ltmp2:
0x12a: {  	[bflag:$0x0] =	sbarrier.arrive $0xFFFF;
	(pc) =	sbr.rel @p0 .LBB2_1-.Ltmp2, $4  }
0x12b: {  	[hbm:s24], [sflag:s3] =	dma.local [spmem:s28], $0x2780  }
0x12c: {  	_ =	swait.ge [sflag:s23], $0x2780  }
0x12d: {  	[sflag:s23] =	ssyncset.done $0x0  }
0x12e: {  	[sflag:s23] =	ssyncadd.s32 $0xFFFFD880  }
0x12f: {  	_ =	sfence.sel $0x180000  }
0x130: {  	[bflag:$0x0] =	sbarrier.arrive $0xFFFF  }
0x131: {  	_ =	strace $0x90000047  }
0x132: {  	s0 =	stileid.u32;
	[bflag:$0x2] =	sbarrier.arrive $0xFFFF  }
0x133: {  	p0 =	sne.s32 s0, $0x0;
	s0 =	rddreg [dreg:$0x4]  }
0x134: {  	s0 =	sadd.s32 @!p0 $0x100000, s0  }
0x135: {  	[sflag:s0] =	ssyncadd.tile.s32 @!p0 $0x1;
	_ =	shalt  }
.Lfunc_end2:
_tile_overlayer_lowered:
.L_overlay_start_2:
0x136: {  	(tag) =	ssettag $0x2  }
0x137: {  	s0 =	rddreg [dreg:$0x0];
	s2 =	stileid.u32  }
0x138: {  	s1 =	rddreg [dreg:$0x1];
	p0 =	sne.s32 s2, $0x0  }
0x139: {  	s3 =	rddreg [dreg:$0x2];
	[bflag:$0x3] =	sbarrier.arrive $0xFFFF;
	s2 =	simm.s32 @!p0 $0x1C05  }
0x13a: {  	[timem:s3], [sflag:s2] =	dma.local @!p0 [hbm:s0], s1  }
0x13b: {  	s0 =	simm.s32 @!p0 $0x5  }
0x13c: {  	_ =	swait.ge @!p0 [sflag:s0], s1  }
0x13d: {  	s1 =	ssub.s32 @!p0 $0x0, s1;
	[sflag:s0] =	ssyncset.done @!p0 $0x0  }
0x13e: {  	[sflag:s0] =	ssyncadd.s32 @!p0 s1  }
0x13f: {  	[bflag:$0x3] =	sbarrier.arrive $0xFFFF  }
0x140: {  	_ =	shalt  }

</sc_bundles>
